<compile_context>
chip_gen: v7x
topology: tpu7x:2x2x1
jax: 0.10.2.dev20260603
libtpu: 0.0.44.dev20260713+nightly
codegen_flags: <defaults>
</compile_context>

<pallas_src>
import jax
import jax.numpy as jnp
from jax import lax
from jax.experimental import pallas as pl
from jax.experimental.pallas import tpu as pltpu
from jax.experimental.pallas import tpu_sc as plsc

N = 10000
D = 128
E = 320000
NC = 2
NS = 16
K = 80
EPT = E // NS
CAP = 20480
HALF = N // NC
ACC = 5120
RPT = ACC // NS
TRASH = 5056
HR = 80


def _sc_agg_body(h_hbm, src_hbm, dst_hbm, parts_hbm, hist_hbm,
                 src_v, dst_v, rows_v, iota_v, agg_s, hsum_s, sem0, sem1):
    c = lax.axis_index("c")
    s = lax.axis_index("s")

    for hh in range(2):
        pltpu.sync_copy(src_hbm.at[pl.ds(s * CAP + hh * (CAP // 2),
                                         CAP // 2)],
                        src_v.at[pl.ds(hh * (CAP // 2), CAP // 2)])
        pltpu.sync_copy(dst_hbm.at[pl.ds(s * CAP + hh * (CAP // 2),
                                         CAP // 2)],
                        dst_v.at[pl.ds(hh * (CAP // 2), CAP // 2)])

    def zrow(r, carry):
        for jj in range(D // 16):
            rows_v[0, r, pl.ds(jj * 16, 16)] = jnp.zeros((16,), jnp.float32)
        return carry
    lax.fori_loop(0, K, zrow, 0)
    for z in range(RPT // K):
        pltpu.sync_copy(rows_v.at[0], agg_s.at[pl.ds(s * RPT + z * K, K)])
    rem = RPT % K
    if rem:
        pltpu.sync_copy(rows_v.at[0, pl.ds(0, rem)],
                        agg_s.at[pl.ds(s * RPT + (RPT // K) * K, rem)])

    @pl.when((c == 0) & (s == 0))
    def _zero_hsum():
        pltpu.sync_copy(rows_v.at[0, pl.ds(0, HR)], hsum_s)

    @pl.when(c == 0)
    def _hist():
        ones = jnp.ones((16,), jnp.float32)

        def hstep(t, carry):
            v = dst_v[pl.ds(t * 16, 16)]
            plsc.addupdate_scatter(
                rows_v.at[0, pl.ds(0, HR)],
                [jnp.right_shift(v, 7), jnp.bitwise_and(v, 127)], ones)
            return carry
        lax.fori_loop(0, EPT // 16, hstep, 0)
        i16 = lax.iota(jnp.int32, 16)

        def istep(i, carry):
            iota_v[pl.ds(i * 16, 16)] = i16 + i * 16
            return carry
        lax.fori_loop(0, HR // 16, istep, 0)

    lo = c * HALF

    def cstep(t, off):
        vd = dst_v[pl.ds(t * 16, 16)]
        vs = src_v[pl.ds(t * 16, 16)]
        m = (vd >= lo) & (vd < lo + HALF)
        plsc.store_compressed(dst_v.at[pl.ds(off, 16)], vd - lo, mask=m)
        plsc.store_compressed(src_v.at[pl.ds(off, 16)], vs, mask=m)
        cnt = plsc.all_reduce_population_count(m)
        return off + cnt[0]
    off = lax.fori_loop(0, EPT // 16, cstep, jnp.int32(0))

    i16 = lax.iota(jnp.int32, 16)
    z16 = jnp.zeros((16,), jnp.int32)
    for kk in range(2 * K // 16):
        dst_v[pl.ds(off + kk * 16, 16)] = TRASH + i16
        src_v[pl.ds(off + kk * 16, 16)] = z16
    ngroups = (off + 2 * K - 1) // (2 * K)

    plsc.subcore_barrier()

    @pl.when(c == 0)
    def _hadd():
        pltpu.sync_copy(rows_v.at[0, pl.ds(0, HR)], hsum_s.at[iota_v],
                        add=True)

    def step(g, carry):
        j0 = 2 * g
        d0 = pltpu.async_copy(h_hbm.at[src_v.at[pl.ds(j0 * K, K)]],
                              rows_v.at[0], sem0)
        d1 = pltpu.async_copy(h_hbm.at[src_v.at[pl.ds((j0 + 1) * K, K)]],
                              rows_v.at[1], sem1)
        d0.wait()
        pltpu.sync_copy(rows_v.at[0],
                        agg_s.at[dst_v.at[pl.ds(j0 * K, K)]], add=True)
        d1.wait()
        pltpu.sync_copy(rows_v.at[1],
                        agg_s.at[dst_v.at[pl.ds((j0 + 1) * K, K)]],
                        add=True)
        return carry
    lax.fori_loop(0, ngroups, step, 0)

    plsc.subcore_barrier()
    pltpu.sync_copy(agg_s.at[pl.ds(s * RPT, RPT)],
                    parts_hbm.at[c, pl.ds(s * RPT, RPT)])

    @pl.when((c == 0) & (s == 0))
    def _hist_out():
        pltpu.sync_copy(hsum_s, hist_hbm)


_SC_MESH = plsc.VectorSubcoreMesh(core_axis_name="c", subcore_axis_name="s")

_sc_agg = pl.kernel(
    _sc_agg_body,
    out_type=(jax.ShapeDtypeStruct((NC, ACC, D), jnp.float32),
              jax.ShapeDtypeStruct((HR, D), jnp.float32)),
    mesh=_SC_MESH,
    scratch_types=[
        pltpu.VMEM((CAP,), jnp.int32),
        pltpu.VMEM((CAP,), jnp.int32),
        pltpu.VMEM((2, K, D), jnp.float32),
        pltpu.VMEM((HR,), jnp.int32),
        pltpu.VMEM_SHARED((ACC, D), jnp.float32),
        pltpu.VMEM_SHARED((HR, D), jnp.float32),
        pltpu.SemaphoreType.DMA,
        pltpu.SemaphoreType.DMA,
    ],
    compiler_params=pltpu.CompilerParams(needs_layout_passes=False),
)


RB = 1000
NB_HALF = HALF // RB


def _dense_body(parts_ref, deg_ref, h_ref, wl_ref, wr_ref, b_ref, fl_ref,
                out_ref):
    degc = jnp.maximum(deg_ref[...], 1.0)
    agg = parts_ref[0] / degc
    y = (jnp.dot(agg, wl_ref[...], preferred_element_type=jnp.float32)
         + jnp.dot(h_ref[...], wr_ref[...], preferred_element_type=jnp.float32)
         + b_ref[...])
    sp = jnp.maximum(y, 0.0) + jnp.log1p(jnp.exp(-jnp.abs(y)))
    m = y * jnp.tanh(sp)
    out_ref[...] = jnp.where(fl_ref[0, 0] > 0.0, m, y)


_dense = pl.pallas_call(
    _dense_body,
    grid=(N // RB,),
    in_specs=[
        pl.BlockSpec((1, RB, D), lambda i: (i // NB_HALF, i % NB_HALF, 0)),
        pl.BlockSpec((RB, 1), lambda i: (i, 0)),
        pl.BlockSpec((RB, D), lambda i: (i, 0)),
        pl.BlockSpec((D, D), lambda i: (0, 0)),
        pl.BlockSpec((D, D), lambda i: (0, 0)),
        pl.BlockSpec((1, D), lambda i: (0, 0)),
        pl.BlockSpec((1, 1), lambda i: (0, 0)),
    ],
    out_specs=pl.BlockSpec((RB, D), lambda i: (i, 0)),
    out_shape=jax.ShapeDtypeStruct((N, D), jnp.float32),
)


def _fold_bn(Wl, bl, Wr, g, b):
    sc = g * (1.0 / jnp.sqrt(1.0 + 1e-5))
    wlT = (Wl * sc[:, None]).T
    wrT = (Wr * sc[:, None]).T
    bb = (bl * sc + b).reshape(1, D)
    return wlT, wrT, bb


def kernel(x, edge_index, Wl0, bl0, Wr0, g0, b0, Wl1, bl1, Wr1, g1, b1,
           Wl2, bl2, Wr2, g2, b2):
    pad = jnp.zeros((NS, CAP - EPT), jnp.int32)
    src2 = jnp.concatenate([edge_index[0].reshape(NS, EPT), pad],
                           axis=1).reshape(NS * CAP)
    dst2 = jnp.concatenate([edge_index[1].reshape(NS, EPT), pad],
                           axis=1).reshape(NS * CAP)

    wl0, wr0, bb0 = _fold_bn(Wl0, bl0, Wr0, g0, b0)
    wl1, wr1, bb1 = _fold_bn(Wl1, bl1, Wr1, g1, b1)
    wl2, wr2, bb2 = _fold_bn(Wl2, bl2, Wr2, g2, b2)
    wls = jnp.stack([wl0, wl1, wl2])
    wrs = jnp.stack([wr0, wr1, wr2])
    bbs = jnp.stack([bb0, bb1, bb2])
    fls = jnp.array([1.0, 1.0, 0.0], jnp.float32).reshape(3, 1, 1)

    def step(h, xs):
        wl, wr, bb, fl = xs
        parts, hist = _sc_agg(h, src2, dst2)
        deg3 = hist.reshape(HR * D, 1)
        h2 = _dense(parts, deg3, h, wl, wr, bb, fl)
        return h2, None

    h3, _ = lax.scan(step, x, (wls, wrs, bbs, fls))
    return h3

# --- scband reference (transcript-rebuilt; emitter-appended) ---
"""Pipeline reference for scband-gnnencoder-32134945309201 (READ-ONLY COPY).

The authoritative reference and input builder live on the scoring server;
editing this copy changes nothing except your own understanding.
"""

import jax, jax.numpy as jnp
import numpy as np

N, E, D = 10000, 320000, 128


def _bn_eval(x, gamma, beta):
    # BatchNorm1d in eval mode with fresh running stats (mean=0, var=1), eps=1e-5
    return (x / jnp.sqrt(1.0 + 1e-5)) * gamma + beta


def _mish(x):
    return x * jnp.tanh(jax.nn.softplus(x))


def _sage_conv(x, edge_index, Wl, bl, Wr):
    # PyG SAGEConv (mean aggr): out = lin_l(mean_{j in N(i)} x_j) + lin_r(x_i)
    src = edge_index[0]
    dst = edge_index[1]
    msg = jnp.take(x, src, axis=0)
    agg = jax.ops.segment_sum(msg, dst, num_segments=N)
    deg = jax.ops.segment_sum(jnp.ones((edge_index.shape[1],), dtype=x.dtype), dst, num_segments=N)
    agg = agg / jnp.clip(deg, 1.0)[:, None]
    return agg @ Wl.T + bl + x @ Wr.T


def setup_inputs(seed: int = 0) -> dict:
    key = jax.random.key(seed)
    ks = jax.random.split(key, 24)
    s = 1.0 / np.sqrt(D)
    inp = {}
    inp["x"] = jax.random.normal(ks[0], (N, D), dtype=jnp.float32)
    inp["edge_index"] = jax.random.randint(ks[1], (2, E), 0, N, dtype=jnp.int32)
    for i in range(3):
        inp[f"Wl{i}"] = jax.random.normal(ks[2 + 5 * i], (D, D), dtype=jnp.float32) * s
        inp[f"bl{i}"] = jax.random.normal(ks[3 + 5 * i], (D,), dtype=jnp.float32) * s
        inp[f"Wr{i}"] = jax.random.normal(ks[4 + 5 * i], (D, D), dtype=jnp.float32) * s
        inp[f"g{i}"] = jnp.ones((D,), dtype=jnp.float32)
        inp[f"b{i}"] = jnp.zeros((D,), dtype=jnp.float32)
    return inp


def reference(x, edge_index, Wl0, bl0, Wr0, g0, b0, Wl1, bl1, Wr1, g1, b1, Wl2, bl2, Wr2, g2, b2):
    # eval mode: dropout disabled, BN uses running stats
    h = _sage_conv(x, edge_index, Wl0, bl0, Wr0)
    h = _mish(_bn_eval(h, g0, b0))
    h = _sage_conv(h, edge_index, Wl1, bl1, Wr1)
    h = _mish(_bn_eval(h, g1, b1))
    h = _sage_conv(h, edge_index, Wl2, bl2, Wr2)
    h = _bn_eval(h, g2, b2)
    return h

if __name__ == "__main__":
    import jax
    _d = setup_inputs()
    print(jax.jit(kernel)(*tuple(_d.values())))

</pallas_src>

<mosaic_0001>
#map = affine_map<(d0, d1) -> (0, 0)>
#map1 = affine_map<(d0, d1) -> (0)>
#map2 = affine_map<(d0, d1) -> (0, 0, 0)>
module attributes {stable_mosaic.version = 14 : i64} {
  func.func @_sc_agg_body(%arg0: i32, %arg1: i32, %arg2: memref<10000x128xf32, #tpu.memory_space<hbm>>, %arg3: memref<327680xi32, #tpu.memory_space<hbm>>, %arg4: memref<327680xi32, #tpu.memory_space<hbm>>, %arg5: memref<2x5120x128xf32, #tpu.memory_space<hbm>>, %arg6: memref<80x128xf32, #tpu.memory_space<hbm>>, %arg7: memref<20480xi32, #tpu.memory_space<vmem>>, %arg8: memref<20480xi32, #tpu.memory_space<vmem>>, %arg9: memref<2x80x128xf32, #tpu.memory_space<vmem>>, %arg10: memref<80xi32, #tpu.memory_space<vmem>>, %arg11: memref<5120x128xf32, #tpu.memory_space<vmem_shared>>, %arg12: memref<80x128xf32, #tpu.memory_space<vmem_shared>>, %arg13: memref<!tpu.dma_semaphore, #tpu.memory_space<semaphore_mem>>, %arg14: memref<!tpu.dma_semaphore, #tpu.memory_space<semaphore_mem>>) attributes {dimension_semantics = [#tpu.dimension_semantics<core_parallel>, #tpu.dimension_semantics<subcore_parallel>], iteration_bounds = array<i64: 2, 16>, scalar_prefetch = 0 : i64, scratch_operands = 8 : i64, tpu.core_type = #tpu.core_type<sc_vector_subcore>, window_params = [{transform_indices = #map}, {transform_indices = #map1}, {transform_indices = #map1}, {transform_indices = #map2}, {transform_indices = #map}]} {
    %mul3A = arith.constant 20480 : i32
    %mul3A_0 = arith.muli %arg1, %mul3A : i32
    %add3A = arith.constant 0 : i32
    %add3A_1 = arith.addi %mul3A_0, %add3A : i32
    "tpu.region"() ({
      %run_scoped3A_214 = tpu.sem_alloc : memref<!tpu.dma_semaphore, #tpu.memory_space<semaphore_mem>>
      %dma_start3A = arith.constant 0 : i32
      %dma_start3A_215 = tpu.memref_slice %arg7[%dma_start3A] : memref<20480xi32, #tpu.memory_space<vmem>> -> memref<10240xi32, #tpu.memory_space<vmem>>
      %dma_start3A_216 = tpu.memref_slice %arg3[%add3A_1] : memref<327680xi32, #tpu.memory_space<hbm>> -> memref<10240xi32, #tpu.memory_space<hbm>>
      %dma_start3A_217 = arith.constant 0 : i32
      %dma_start3A_218 = tpu.memref_slice %arg7[%dma_start3A_217] : memref<20480xi32, #tpu.memory_space<vmem>> -> memref<10240xi32, #tpu.memory_space<vmem>>
      %dma_start3A_219 = tpu.memref_slice %arg3[%add3A_1] : memref<327680xi32, #tpu.memory_space<hbm>> -> memref<10240xi32, #tpu.memory_space<hbm>>
      tpu.enqueue_dma source(%dma_start3A_219 : memref<10240xi32, #tpu.memory_space<hbm>>) target(%dma_start3A_218 : memref<10240xi32, #tpu.memory_space<vmem>>) target_semaphore(%run_scoped3A_214 : memref<!tpu.dma_semaphore, #tpu.memory_space<semaphore_mem>>)
      %dma_wait3A = arith.constant 0 : i32
      %dma_wait3A_220 = tpu.memref_slice %arg7[%dma_wait3A] : memref<20480xi32, #tpu.memory_space<vmem>> -> memref<10240xi32, #tpu.memory_space<vmem>>
      %dma_wait3A_221 = tpu.memref_slice %arg3[%add3A_1] : memref<327680xi32, #tpu.memory_space<hbm>> -> memref<10240xi32, #tpu.memory_space<hbm>>
      %dma_wait3A_222 = arith.constant 0 : i32
      %dma_wait3A_223 = tpu.memref_slice %arg7[%dma_wait3A_222] : memref<20480xi32, #tpu.memory_space<vmem>> -> memref<10240xi32, #tpu.memory_space<vmem>>
      %dma_wait3A_224 = tpu.memref_slice %arg3[%add3A_1] : memref<327680xi32, #tpu.memory_space<hbm>> -> memref<10240xi32, #tpu.memory_space<hbm>>
      tpu.wait_dma2 semaphore(%run_scoped3A_214 : memref<!tpu.dma_semaphore, #tpu.memory_space<semaphore_mem>>) src(%dma_wait3A_224 : memref<10240xi32, #tpu.memory_space<hbm>>) dst(%dma_wait3A_223 : memref<10240xi32, #tpu.memory_space<vmem>>)
      tpu.yield
    }) : () -> ()
    %mul3A_2 = arith.constant 20480 : i32
    %mul3A_3 = arith.muli %arg1, %mul3A_2 : i32
    %add3A_4 = arith.constant 0 : i32
    %add3A_5 = arith.addi %mul3A_3, %add3A_4 : i32
    "tpu.region"() ({
      %run_scoped3A_214 = tpu.sem_alloc : memref<!tpu.dma_semaphore, #tpu.memory_space<semaphore_mem>>
      %dma_start3A = arith.constant 0 : i32
      %dma_start3A_215 = tpu.memref_slice %arg8[%dma_start3A] : memref<20480xi32, #tpu.memory_space<vmem>> -> memref<10240xi32, #tpu.memory_space<vmem>>
      %dma_start3A_216 = tpu.memref_slice %arg4[%add3A_5] : memref<327680xi32, #tpu.memory_space<hbm>> -> memref<10240xi32, #tpu.memory_space<hbm>>
      %dma_start3A_217 = arith.constant 0 : i32
      %dma_start3A_218 = tpu.memref_slice %arg8[%dma_start3A_217] : memref<20480xi32, #tpu.memory_space<vmem>> -> memref<10240xi32, #tpu.memory_space<vmem>>
      %dma_start3A_219 = tpu.memref_slice %arg4[%add3A_5] : memref<327680xi32, #tpu.memory_space<hbm>> -> memref<10240xi32, #tpu.memory_space<hbm>>
      tpu.enqueue_dma source(%dma_start3A_219 : memref<10240xi32, #tpu.memory_space<hbm>>) target(%dma_start3A_218 : memref<10240xi32, #tpu.memory_space<vmem>>) target_semaphore(%run_scoped3A_214 : memref<!tpu.dma_semaphore, #tpu.memory_space<semaphore_mem>>)
      %dma_wait3A = arith.constant 0 : i32
      %dma_wait3A_220 = tpu.memref_slice %arg8[%dma_wait3A] : memref<20480xi32, #tpu.memory_space<vmem>> -> memref<10240xi32, #tpu.memory_space<vmem>>
      %dma_wait3A_221 = tpu.memref_slice %arg4[%add3A_5] : memref<327680xi32, #tpu.memory_space<hbm>> -> memref<10240xi32, #tpu.memory_space<hbm>>
      %dma_wait3A_222 = arith.constant 0 : i32
      %dma_wait3A_223 = tpu.memref_slice %arg8[%dma_wait3A_222] : memref<20480xi32, #tpu.memory_space<vmem>> -> memref<10240xi32, #tpu.memory_space<vmem>>
      %dma_wait3A_224 = tpu.memref_slice %arg4[%add3A_5] : memref<327680xi32, #tpu.memory_space<hbm>> -> memref<10240xi32, #tpu.memory_space<hbm>>
      tpu.wait_dma2 semaphore(%run_scoped3A_214 : memref<!tpu.dma_semaphore, #tpu.memory_space<semaphore_mem>>) src(%dma_wait3A_224 : memref<10240xi32, #tpu.memory_space<hbm>>) dst(%dma_wait3A_223 : memref<10240xi32, #tpu.memory_space<vmem>>)
      tpu.yield
    }) : () -> ()
    %mul3A_6 = arith.constant 20480 : i32
    %mul3A_7 = arith.muli %arg1, %mul3A_6 : i32
    %add3A_8 = arith.constant 10240 : i32
    %add3A_9 = arith.addi %mul3A_7, %add3A_8 : i32
    "tpu.region"() ({
      %run_scoped3A_214 = tpu.sem_alloc : memref<!tpu.dma_semaphore, #tpu.memory_space<semaphore_mem>>
      %dma_start3A = arith.constant 10240 : i32
      %dma_start3A_215 = tpu.memref_slice %arg7[%dma_start3A] : memref<20480xi32, #tpu.memory_space<vmem>> -> memref<10240xi32, #tpu.memory_space<vmem>>
      %dma_start3A_216 = tpu.memref_slice %arg3[%add3A_9] : memref<327680xi32, #tpu.memory_space<hbm>> -> memref<10240xi32, #tpu.memory_space<hbm>>
      %dma_start3A_217 = arith.constant 10240 : i32
      %dma_start3A_218 = tpu.memref_slice %arg7[%dma_start3A_217] : memref<20480xi32, #tpu.memory_space<vmem>> -> memref<10240xi32, #tpu.memory_space<vmem>>
      %dma_start3A_219 = tpu.memref_slice %arg3[%add3A_9] : memref<327680xi32, #tpu.memory_space<hbm>> -> memref<10240xi32, #tpu.memory_space<hbm>>
      tpu.enqueue_dma source(%dma_start3A_219 : memref<10240xi32, #tpu.memory_space<hbm>>) target(%dma_start3A_218 : memref<10240xi32, #tpu.memory_space<vmem>>) target_semaphore(%run_scoped3A_214 : memref<!tpu.dma_semaphore, #tpu.memory_space<semaphore_mem>>)
      %dma_wait3A = arith.constant 10240 : i32
      %dma_wait3A_220 = tpu.memref_slice %arg7[%dma_wait3A] : memref<20480xi32, #tpu.memory_space<vmem>> -> memref<10240xi32, #tpu.memory_space<vmem>>
      %dma_wait3A_221 = tpu.memref_slice %arg3[%add3A_9] : memref<327680xi32, #tpu.memory_space<hbm>> -> memref<10240xi32, #tpu.memory_space<hbm>>
      %dma_wait3A_222 = arith.constant 10240 : i32
      %dma_wait3A_223 = tpu.memref_slice %arg7[%dma_wait3A_222] : memref<20480xi32, #tpu.memory_space<vmem>> -> memref<10240xi32, #tpu.memory_space<vmem>>
      %dma_wait3A_224 = tpu.memref_slice %arg3[%add3A_9] : memref<327680xi32, #tpu.memory_space<hbm>> -> memref<10240xi32, #tpu.memory_space<hbm>>
      tpu.wait_dma2 semaphore(%run_scoped3A_214 : memref<!tpu.dma_semaphore, #tpu.memory_space<semaphore_mem>>) src(%dma_wait3A_224 : memref<10240xi32, #tpu.memory_space<hbm>>) dst(%dma_wait3A_223 : memref<10240xi32, #tpu.memory_space<vmem>>)
      tpu.yield
    }) : () -> ()
    %mul3A_10 = arith.constant 20480 : i32
    %mul3A_11 = arith.muli %arg1, %mul3A_10 : i32
    %add3A_12 = arith.constant 10240 : i32
    %add3A_13 = arith.addi %mul3A_11, %add3A_12 : i32
    "tpu.region"() ({
      %run_scoped3A_214 = tpu.sem_alloc : memref<!tpu.dma_semaphore, #tpu.memory_space<semaphore_mem>>
      %dma_start3A = arith.constant 10240 : i32
      %dma_start3A_215 = tpu.memref_slice %arg8[%dma_start3A] : memref<20480xi32, #tpu.memory_space<vmem>> -> memref<10240xi32, #tpu.memory_space<vmem>>
      %dma_start3A_216 = tpu.memref_slice %arg4[%add3A_13] : memref<327680xi32, #tpu.memory_space<hbm>> -> memref<10240xi32, #tpu.memory_space<hbm>>
      %dma_start3A_217 = arith.constant 10240 : i32
      %dma_start3A_218 = tpu.memref_slice %arg8[%dma_start3A_217] : memref<20480xi32, #tpu.memory_space<vmem>> -> memref<10240xi32, #tpu.memory_space<vmem>>
      %dma_start3A_219 = tpu.memref_slice %arg4[%add3A_13] : memref<327680xi32, #tpu.memory_space<hbm>> -> memref<10240xi32, #tpu.memory_space<hbm>>
      tpu.enqueue_dma source(%dma_start3A_219 : memref<10240xi32, #tpu.memory_space<hbm>>) target(%dma_start3A_218 : memref<10240xi32, #tpu.memory_space<vmem>>) target_semaphore(%run_scoped3A_214 : memref<!tpu.dma_semaphore, #tpu.memory_space<semaphore_mem>>)
      %dma_wait3A = arith.constant 10240 : i32
      %dma_wait3A_220 = tpu.memref_slice %arg8[%dma_wait3A] : memref<20480xi32, #tpu.memory_space<vmem>> -> memref<10240xi32, #tpu.memory_space<vmem>>
      %dma_wait3A_221 = tpu.memref_slice %arg4[%add3A_13] : memref<327680xi32, #tpu.memory_space<hbm>> -> memref<10240xi32, #tpu.memory_space<hbm>>
      %dma_wait3A_222 = arith.constant 10240 : i32
      %dma_wait3A_223 = tpu.memref_slice %arg8[%dma_wait3A_222] : memref<20480xi32, #tpu.memory_space<vmem>> -> memref<10240xi32, #tpu.memory_space<vmem>>
      %dma_wait3A_224 = tpu.memref_slice %arg4[%add3A_13] : memref<327680xi32, #tpu.memory_space<hbm>> -> memref<10240xi32, #tpu.memory_space<hbm>>
      tpu.wait_dma2 semaphore(%run_scoped3A_214 : memref<!tpu.dma_semaphore, #tpu.memory_space<semaphore_mem>>) src(%dma_wait3A_224 : memref<10240xi32, #tpu.memory_space<hbm>>) dst(%dma_wait3A_223 : memref<10240xi32, #tpu.memory_space<vmem>>)
      tpu.yield
    }) : () -> ()
    %scan3A = arith.constant 0 : i32
    %scan3A_14 = arith.constant 0 : i32
    %scan3A_15 = arith.constant 80 : i32
    %scan3A_16 = arith.addi %scan3A_14, %scan3A_15 : i32
    %scan3A_17 = arith.constant 1 : i32
    scf.for %scan3A_214 = %scan3A_14 to %scan3A_16 step %scan3A_17  : i32 {
      %broadcast_in_dim3A_215 = arith.constant 0.000000e+00 : f32
      %broadcast_in_dim3A_216 = vector.broadcast %broadcast_in_dim3A_215 : f32 to vector<16xf32>
      %swap3A_217 = arith.constant 0 : i32
      %swap3A_218 = arith.index_cast %swap3A_217 : i32 to index
      %swap3A_219 = arith.index_cast %scan3A_214 : i32 to index
      %swap3A_220 = arith.constant 0 : index
      %swap3A_221 = tpu.vector_load %arg9[%swap3A_218, %swap3A_219, %swap3A_220] {strides = array<i32>} : memref<2x80x128xf32, #tpu.memory_space<vmem>>, vector<16xf32>,
      tpu.vector_store %arg9[%swap3A_218, %swap3A_219, %swap3A_220], %broadcast_in_dim3A_216 {strides = array<i32>} : memref<2x80x128xf32, #tpu.memory_space<vmem>>, vector<16xf32>,
      %broadcast_in_dim3A_222 = arith.constant 0.000000e+00 : f32
      %broadcast_in_dim3A_223 = vector.broadcast %broadcast_in_dim3A_222 : f32 to vector<16xf32>
      %swap3A_224 = arith.constant 0 : i32
      %swap3A_225 = arith.index_cast %swap3A_224 : i32 to index
      %swap3A_226 = arith.index_cast %scan3A_214 : i32 to index
      %swap3A_227 = arith.constant 16 : index
      %swap3A_228 = tpu.vector_load %arg9[%swap3A_225, %swap3A_226, %swap3A_227] {strides = array<i32>} : memref<2x80x128xf32, #tpu.memory_space<vmem>>, vector<16xf32>,
      tpu.vector_store %arg9[%swap3A_225, %swap3A_226, %swap3A_227], %broadcast_in_dim3A_223 {strides = array<i32>} : memref<2x80x128xf32, #tpu.memory_space<vmem>>, vector<16xf32>,
      %broadcast_in_dim3A_229 = arith.constant 0.000000e+00 : f32
      %broadcast_in_dim3A_230 = vector.broadcast %broadcast_in_dim3A_229 : f32 to vector<16xf32>
      %swap3A_231 = arith.constant 0 : i32
      %swap3A_232 = arith.index_cast %swap3A_231 : i32 to index
      %swap3A_233 = arith.index_cast %scan3A_214 : i32 to index
      %swap3A_234 = arith.constant 32 : index
      %swap3A_235 = tpu.vector_load %arg9[%swap3A_232, %swap3A_233, %swap3A_234] {strides = array<i32>} : memref<2x80x128xf32, #tpu.memory_space<vmem>>, vector<16xf32>,
      tpu.vector_store %arg9[%swap3A_232, %swap3A_233, %swap3A_234], %broadcast_in_dim3A_230 {strides = array<i32>} : memref<2x80x128xf32, #tpu.memory_space<vmem>>, vector<16xf32>,
      %broadcast_in_dim3A_236 = arith.constant 0.000000e+00 : f32
      %broadcast_in_dim3A_237 = vector.broadcast %broadcast_in_dim3A_236 : f32 to vector<16xf32>
      %swap3A_238 = arith.constant 0 : i32
      %swap3A_239 = arith.index_cast %swap3A_238 : i32 to index
      %swap3A_240 = arith.index_cast %scan3A_214 : i32 to index
      %swap3A_241 = arith.constant 48 : index
      %swap3A_242 = tpu.vector_load %arg9[%swap3A_239, %swap3A_240, %swap3A_241] {strides = array<i32>} : memref<2x80x128xf32, #tpu.memory_space<vmem>>, vector<16xf32>,
      tpu.vector_store %arg9[%swap3A_239, %swap3A_240, %swap3A_241], %broadcast_in_dim3A_237 {strides = array<i32>} : memref<2x80x128xf32, #tpu.memory_space<vmem>>, vector<16xf32>,
      %broadcast_in_dim3A_243 = arith.constant 0.000000e+00 : f32
      %broadcast_in_dim3A_244 = vector.broadcast %broadcast_in_dim3A_243 : f32 to vector<16xf32>
      %swap3A_245 = arith.constant 0 : i32
      %swap3A_246 = arith.index_cast %swap3A_245 : i32 to index
      %swap3A_247 = arith.index_cast %scan3A_214 : i32 to index
      %swap3A_248 = arith.constant 64 : index
      %swap3A_249 = tpu.vector_load %arg9[%swap3A_246, %swap3A_247, %swap3A_248] {strides = array<i32>} : memref<2x80x128xf32, #tpu.memory_space<vmem>>, vector<16xf32>,
      tpu.vector_store %arg9[%swap3A_246, %swap3A_247, %swap3A_248], %broadcast_in_dim3A_244 {strides = array<i32>} : memref<2x80x128xf32, #tpu.memory_space<vmem>>, vector<16xf32>,
      %broadcast_in_dim3A_250 = arith.constant 0.000000e+00 : f32
      %broadcast_in_dim3A_251 = vector.broadcast %broadcast_in_dim3A_250 : f32 to vector<16xf32>
      %swap3A_252 = arith.constant 0 : i32
      %swap3A_253 = arith.index_cast %swap3A_252 : i32 to index
      %swap3A_254 = arith.index_cast %scan3A_214 : i32 to index
      %swap3A_255 = arith.constant 80 : index
      %swap3A_256 = tpu.vector_load %arg9[%swap3A_253, %swap3A_254, %swap3A_255] {strides = array<i32>} : memref<2x80x128xf32, #tpu.memory_space<vmem>>, vector<16xf32>,
      tpu.vector_store %arg9[%swap3A_253, %swap3A_254, %swap3A_255], %broadcast_in_dim3A_251 {strides = array<i32>} : memref<2x80x128xf32, #tpu.memory_space<vmem>>, vector<16xf32>,
      %broadcast_in_dim3A_257 = arith.constant 0.000000e+00 : f32
      %broadcast_in_dim3A_258 = vector.broadcast %broadcast_in_dim3A_257 : f32 to vector<16xf32>
      %swap3A_259 = arith.constant 0 : i32
      %swap3A_260 = arith.index_cast %swap3A_259 : i32 to index
      %swap3A_261 = arith.index_cast %scan3A_214 : i32 to index
      %swap3A_262 = arith.constant 96 : index
      %swap3A_263 = tpu.vector_load %arg9[%swap3A_260, %swap3A_261, %swap3A_262] {strides = array<i32>} : memref<2x80x128xf32, #tpu.memory_space<vmem>>, vector<16xf32>,
      tpu.vector_store %arg9[%swap3A_260, %swap3A_261, %swap3A_262], %broadcast_in_dim3A_258 {strides = array<i32>} : memref<2x80x128xf32, #tpu.memory_space<vmem>>, vector<16xf32>,
      %broadcast_in_dim3A_264 = arith.constant 0.000000e+00 : f32
      %broadcast_in_dim3A_265 = vector.broadcast %broadcast_in_dim3A_264 : f32 to vector<16xf32>
      %swap3A_266 = arith.constant 0 : i32
      %swap3A_267 = arith.index_cast %swap3A_266 : i32 to index
      %swap3A_268 = arith.index_cast %scan3A_214 : i32 to index
      %swap3A_269 = arith.constant 112 : index
      %swap3A_270 = tpu.vector_load %arg9[%swap3A_267, %swap3A_268, %swap3A_269] {strides = array<i32>} : memref<2x80x128xf32, #tpu.memory_space<vmem>>, vector<16xf32>,
      tpu.vector_store %arg9[%swap3A_267, %swap3A_268, %swap3A_269], %broadcast_in_dim3A_265 {strides = array<i32>} : memref<2x80x128xf32, #tpu.memory_space<vmem>>, vector<16xf32>,
    }
    %scan3A_18 = arith.constant 80 : i32
    %mul3A_19 = arith.constant 320 : i32
    %mul3A_20 = arith.muli %arg1, %mul3A_19 : i32
    %add3A_21 = arith.constant 0 : i32
    %add3A_22 = arith.addi %mul3A_20, %add3A_21 : i32
    %run_scoped3A = arith.constant 0 : i32
    "tpu.region"() ({
      %run_scoped3A_214 = tpu.sem_alloc : memref<!tpu.dma_semaphore, #tpu.memory_space<semaphore_mem>>
      %dma_start3A = arith.constant 0 : i32
      %dma_start3A_215 = arith.constant 0 : i32
      %dma_start3A_216 = tpu.memref_slice %arg9[%run_scoped3A, %dma_start3A, %dma_start3A_215] : memref<2x80x128xf32, #tpu.memory_space<vmem>> -> memref<1x80x128xf32, #tpu.memory_space<vmem>>
      %dma_start3A_217 = tpu.memref_squeeze %dma_start3A_216 : memref<1x80x128xf32, #tpu.memory_space<vmem>> -> memref<80x128xf32, #tpu.memory_space<vmem>>
      %dma_start3A_218 = arith.constant 0 : i32
      %dma_start3A_219 = tpu.memref_slice %arg11[%add3A_22, %dma_start3A_218] : memref<5120x128xf32, #tpu.memory_space<vmem_shared>> -> memref<80x128xf32, #tpu.memory_space<vmem_shared>>
      %dma_start3A_220 = arith.constant 0 : i32
      %dma_start3A_221 = tpu.memref_slice %arg11[%add3A_22, %dma_start3A_220] : memref<5120x128xf32, #tpu.memory_space<vmem_shared>> -> memref<80x128xf32, #tpu.memory_space<vmem_shared>>
      %dma_start3A_222 = arith.constant 0 : i32
      %dma_start3A_223 = arith.constant 0 : i32
      %dma_start3A_224 = tpu.memref_slice %arg9[%run_scoped3A, %dma_start3A_222, %dma_start3A_223] : memref<2x80x128xf32, #tpu.memory_space<vmem>> -> memref<1x80x128xf32, #tpu.memory_space<vmem>>
      %dma_start3A_225 = tpu.memref_squeeze %dma_start3A_224 : memref<1x80x128xf32, #tpu.memory_space<vmem>> -> memref<80x128xf32, #tpu.memory_space<vmem>>
      tpu.enqueue_dma source(%dma_start3A_225 : memref<80x128xf32, #tpu.memory_space<vmem>>) target(%dma_start3A_221 : memref<80x128xf32, #tpu.memory_space<vmem_shared>>) target_semaphore(%run_scoped3A_214 : memref<!tpu.dma_semaphore, #tpu.memory_space<semaphore_mem>>)
      %dma_wait3A = arith.constant 0 : i32
      %dma_wait3A_226 = arith.constant 0 : i32
      %dma_wait3A_227 = tpu.memref_slice %arg9[%run_scoped3A, %dma_wait3A, %dma_wait3A_226] : memref<2x80x128xf32, #tpu.memory_space<vmem>> -> memref<1x80x128xf32, #tpu.memory_space<vmem>>
      %dma_wait3A_228 = tpu.memref_squeeze %dma_wait3A_227 : memref<1x80x128xf32, #tpu.memory_space<vmem>> -> memref<80x128xf32, #tpu.memory_space<vmem>>
      %dma_wait3A_229 = arith.constant 0 : i32
      %dma_wait3A_230 = tpu.memref_slice %arg11[%add3A_22, %dma_wait3A_229] : memref<5120x128xf32, #tpu.memory_space<vmem_shared>> -> memref<80x128xf32, #tpu.memory_space<vmem_shared>>
      %dma_wait3A_231 = arith.constant 0 : i32
      %dma_wait3A_232 = tpu.memref_slice %arg11[%add3A_22, %dma_wait3A_231] : memref<5120x128xf32, #tpu.memory_space<vmem_shared>> -> memref<80x128xf32, #tpu.memory_space<vmem_shared>>
      %dma_wait3A_233 = arith.constant 0 : i32
      %dma_wait3A_234 = arith.constant 0 : i32
      %dma_wait3A_235 = tpu.memref_slice %arg9[%run_scoped3A, %dma_wait3A_233, %dma_wait3A_234] : memref<2x80x128xf32, #tpu.memory_space<vmem>> -> memref<1x80x128xf32, #tpu.memory_space<vmem>>
      %dma_wait3A_236 = tpu.memref_squeeze %dma_wait3A_235 : memref<1x80x128xf32, #tpu.memory_space<vmem>> -> memref<80x128xf32, #tpu.memory_space<vmem>>
      tpu.wait_dma2 semaphore(%run_scoped3A_214 : memref<!tpu.dma_semaphore, #tpu.memory_space<semaphore_mem>>) src(%dma_wait3A_236 : memref<80x128xf32, #tpu.memory_space<vmem>>) dst(%dma_wait3A_232 : memref<80x128xf32, #tpu.memory_space<vmem_shared>>)
      tpu.yield
    }) : () -> ()
    %mul3A_23 = arith.constant 320 : i32
    %mul3A_24 = arith.muli %arg1, %mul3A_23 : i32
    %add3A_25 = arith.constant 80 : i32
    %add3A_26 = arith.addi %mul3A_24, %add3A_25 : i32
    %run_scoped3A_27 = arith.constant 0 : i32
    "tpu.region"() ({
      %run_scoped3A_214 = tpu.sem_alloc : memref<!tpu.dma_semaphore, #tpu.memory_space<semaphore_mem>>
      %dma_start3A = arith.constant 0 : i32
      %dma_start3A_215 = arith.constant 0 : i32
      %dma_start3A_216 = tpu.memref_slice %arg9[%run_scoped3A_27, %dma_start3A, %dma_start3A_215] : memref<2x80x128xf32, #tpu.memory_space<vmem>> -> memref<1x80x128xf32, #tpu.memory_space<vmem>>
      %dma_start3A_217 = tpu.memref_squeeze %dma_start3A_216 : memref<1x80x128xf32, #tpu.memory_space<vmem>> -> memref<80x128xf32, #tpu.memory_space<vmem>>
      %dma_start3A_218 = arith.constant 0 : i32
      %dma_start3A_219 = tpu.memref_slice %arg11[%add3A_26, %dma_start3A_218] : memref<5120x128xf32, #tpu.memory_space<vmem_shared>> -> memref<80x128xf32, #tpu.memory_space<vmem_shared>>
      %dma_start3A_220 = arith.constant 0 : i32
      %dma_start3A_221 = tpu.memref_slice %arg11[%add3A_26, %dma_start3A_220] : memref<5120x128xf32, #tpu.memory_space<vmem_shared>> -> memref<80x128xf32, #tpu.memory_space<vmem_shared>>
      %dma_start3A_222 = arith.constant 0 : i32
      %dma_start3A_223 = arith.constant 0 : i32
      %dma_start3A_224 = tpu.memref_slice %arg9[%run_scoped3A_27, %dma_start3A_222, %dma_start3A_223] : memref<2x80x128xf32, #tpu.memory_space<vmem>> -> memref<1x80x128xf32, #tpu.memory_space<vmem>>
      %dma_start3A_225 = tpu.memref_squeeze %dma_start3A_224 : memref<1x80x128xf32, #tpu.memory_space<vmem>> -> memref<80x128xf32, #tpu.memory_space<vmem>>
      tpu.enqueue_dma source(%dma_start3A_225 : memref<80x128xf32, #tpu.memory_space<vmem>>) target(%dma_start3A_221 : memref<80x128xf32, #tpu.memory_space<vmem_shared>>) target_semaphore(%run_scoped3A_214 : memref<!tpu.dma_semaphore, #tpu.memory_space<semaphore_mem>>)
      %dma_wait3A = arith.constant 0 : i32
      %dma_wait3A_226 = arith.constant 0 : i32
      %dma_wait3A_227 = tpu.memref_slice %arg9[%run_scoped3A_27, %dma_wait3A, %dma_wait3A_226] : memref<2x80x128xf32, #tpu.memory_space<vmem>> -> memref<1x80x128xf32, #tpu.memory_space<vmem>>
      %dma_wait3A_228 = tpu.memref_squeeze %dma_wait3A_227 : memref<1x80x128xf32, #tpu.memory_space<vmem>> -> memref<80x128xf32, #tpu.memory_space<vmem>>
      %dma_wait3A_229 = arith.constant 0 : i32
      %dma_wait3A_230 = tpu.memref_slice %arg11[%add3A_26, %dma_wait3A_229] : memref<5120x128xf32, #tpu.memory_space<vmem_shared>> -> memref<80x128xf32, #tpu.memory_space<vmem_shared>>
      %dma_wait3A_231 = arith.constant 0 : i32
      %dma_wait3A_232 = tpu.memref_slice %arg11[%add3A_26, %dma_wait3A_231] : memref<5120x128xf32, #tpu.memory_space<vmem_shared>> -> memref<80x128xf32, #tpu.memory_space<vmem_shared>>
      %dma_wait3A_233 = arith.constant 0 : i32
      %dma_wait3A_234 = arith.constant 0 : i32
      %dma_wait3A_235 = tpu.memref_slice %arg9[%run_scoped3A_27, %dma_wait3A_233, %dma_wait3A_234] : memref<2x80x128xf32, #tpu.memory_space<vmem>> -> memref<1x80x128xf32, #tpu.memory_space<vmem>>
      %dma_wait3A_236 = tpu.memref_squeeze %dma_wait3A_235 : memref<1x80x128xf32, #tpu.memory_space<vmem>> -> memref<80x128xf32, #tpu.memory_space<vmem>>
      tpu.wait_dma2 semaphore(%run_scoped3A_214 : memref<!tpu.dma_semaphore, #tpu.memory_space<semaphore_mem>>) src(%dma_wait3A_236 : memref<80x128xf32, #tpu.memory_space<vmem>>) dst(%dma_wait3A_232 : memref<80x128xf32, #tpu.memory_space<vmem_shared>>)
      tpu.yield
    }) : () -> ()
    %mul3A_28 = arith.constant 320 : i32
    %mul3A_29 = arith.muli %arg1, %mul3A_28 : i32
    %add3A_30 = arith.constant 160 : i32
    %add3A_31 = arith.addi %mul3A_29, %add3A_30 : i32
    %run_scoped3A_32 = arith.constant 0 : i32
    "tpu.region"() ({
      %run_scoped3A_214 = tpu.sem_alloc : memref<!tpu.dma_semaphore, #tpu.memory_space<semaphore_mem>>
      %dma_start3A = arith.constant 0 : i32
      %dma_start3A_215 = arith.constant 0 : i32
      %dma_start3A_216 = tpu.memref_slice %arg9[%run_scoped3A_32, %dma_start3A, %dma_start3A_215] : memref<2x80x128xf32, #tpu.memory_space<vmem>> -> memref<1x80x128xf32, #tpu.memory_space<vmem>>
      %dma_start3A_217 = tpu.memref_squeeze %dma_start3A_216 : memref<1x80x128xf32, #tpu.memory_space<vmem>> -> memref<80x128xf32, #tpu.memory_space<vmem>>
      %dma_start3A_218 = arith.constant 0 : i32
      %dma_start3A_219 = tpu.memref_slice %arg11[%add3A_31, %dma_start3A_218] : memref<5120x128xf32, #tpu.memory_space<vmem_shared>> -> memref<80x128xf32, #tpu.memory_space<vmem_shared>>
      %dma_start3A_220 = arith.constant 0 : i32
      %dma_start3A_221 = tpu.memref_slice %arg11[%add3A_31, %dma_start3A_220] : memref<5120x128xf32, #tpu.memory_space<vmem_shared>> -> memref<80x128xf32, #tpu.memory_space<vmem_shared>>
      %dma_start3A_222 = arith.constant 0 : i32
      %dma_start3A_223 = arith.constant 0 : i32
      %dma_start3A_224 = tpu.memref_slice %arg9[%run_scoped3A_32, %dma_start3A_222, %dma_start3A_223] : memref<2x80x128xf32, #tpu.memory_space<vmem>> -> memref<1x80x128xf32, #tpu.memory_space<vmem>>
      %dma_start3A_225 = tpu.memref_squeeze %dma_start3A_224 : memref<1x80x128xf32, #tpu.memory_space<vmem>> -> memref<80x128xf32, #tpu.memory_space<vmem>>
      tpu.enqueue_dma source(%dma_start3A_225 : memref<80x128xf32, #tpu.memory_space<vmem>>) target(%dma_start3A_221 : memref<80x128xf32, #tpu.memory_space<vmem_shared>>) target_semaphore(%run_scoped3A_214 : memref<!tpu.dma_semaphore, #tpu.memory_space<semaphore_mem>>)
      %dma_wait3A = arith.constant 0 : i32
      %dma_wait3A_226 = arith.constant 0 : i32
      %dma_wait3A_227 = tpu.memref_slice %arg9[%run_scoped3A_32, %dma_wait3A, %dma_wait3A_226] : memref<2x80x128xf32, #tpu.memory_space<vmem>> -> memref<1x80x128xf32, #tpu.memory_space<vmem>>
      %dma_wait3A_228 = tpu.memref_squeeze %dma_wait3A_227 : memref<1x80x128xf32, #tpu.memory_space<vmem>> -> memref<80x128xf32, #tpu.memory_space<vmem>>
      %dma_wait3A_229 = arith.constant 0 : i32
      %dma_wait3A_230 = tpu.memref_slice %arg11[%add3A_31, %dma_wait3A_229] : memref<5120x128xf32, #tpu.memory_space<vmem_shared>> -> memref<80x128xf32, #tpu.memory_space<vmem_shared>>
      %dma_wait3A_231 = arith.constant 0 : i32
      %dma_wait3A_232 = tpu.memref_slice %arg11[%add3A_31, %dma_wait3A_231] : memref<5120x128xf32, #tpu.memory_space<vmem_shared>> -> memref<80x128xf32, #tpu.memory_space<vmem_shared>>
      %dma_wait3A_233 = arith.constant 0 : i32
      %dma_wait3A_234 = arith.constant 0 : i32
      %dma_wait3A_235 = tpu.memref_slice %arg9[%run_scoped3A_32, %dma_wait3A_233, %dma_wait3A_234] : memref<2x80x128xf32, #tpu.memory_space<vmem>> -> memref<1x80x128xf32, #tpu.memory_space<vmem>>
      %dma_wait3A_236 = tpu.memref_squeeze %dma_wait3A_235 : memref<1x80x128xf32, #tpu.memory_space<vmem>> -> memref<80x128xf32, #tpu.memory_space<vmem>>
      tpu.wait_dma2 semaphore(%run_scoped3A_214 : memref<!tpu.dma_semaphore, #tpu.memory_space<semaphore_mem>>) src(%dma_wait3A_236 : memref<80x128xf32, #tpu.memory_space<vmem>>) dst(%dma_wait3A_232 : memref<80x128xf32, #tpu.memory_space<vmem_shared>>)
      tpu.yield
    }) : () -> ()
    %mul3A_33 = arith.constant 320 : i32
    %mul3A_34 = arith.muli %arg1, %mul3A_33 : i32
    %add3A_35 = arith.constant 240 : i32
    %add3A_36 = arith.addi %mul3A_34, %add3A_35 : i32
    %run_scoped3A_37 = arith.constant 0 : i32
    "tpu.region"() ({
      %run_scoped3A_214 = tpu.sem_alloc : memref<!tpu.dma_semaphore, #tpu.memory_space<semaphore_mem>>
      %dma_start3A = arith.constant 0 : i32
      %dma_start3A_215 = arith.constant 0 : i32
      %dma_start3A_216 = tpu.memref_slice %arg9[%run_scoped3A_37, %dma_start3A, %dma_start3A_215] : memref<2x80x128xf32, #tpu.memory_space<vmem>> -> memref<1x80x128xf32, #tpu.memory_space<vmem>>
      %dma_start3A_217 = tpu.memref_squeeze %dma_start3A_216 : memref<1x80x128xf32, #tpu.memory_space<vmem>> -> memref<80x128xf32, #tpu.memory_space<vmem>>
      %dma_start3A_218 = arith.constant 0 : i32
      %dma_start3A_219 = tpu.memref_slice %arg11[%add3A_36, %dma_start3A_218] : memref<5120x128xf32, #tpu.memory_space<vmem_shared>> -> memref<80x128xf32, #tpu.memory_space<vmem_shared>>
      %dma_start3A_220 = arith.constant 0 : i32
      %dma_start3A_221 = tpu.memref_slice %arg11[%add3A_36, %dma_start3A_220] : memref<5120x128xf32, #tpu.memory_space<vmem_shared>> -> memref<80x128xf32, #tpu.memory_space<vmem_shared>>
      %dma_start3A_222 = arith.constant 0 : i32
      %dma_start3A_223 = arith.constant 0 : i32
      %dma_start3A_224 = tpu.memref_slice %arg9[%run_scoped3A_37, %dma_start3A_222, %dma_start3A_223] : memref<2x80x128xf32, #tpu.memory_space<vmem>> -> memref<1x80x128xf32, #tpu.memory_space<vmem>>
      %dma_start3A_225 = tpu.memref_squeeze %dma_start3A_224 : memref<1x80x128xf32, #tpu.memory_space<vmem>> -> memref<80x128xf32, #tpu.memory_space<vmem>>
      tpu.enqueue_dma source(%dma_start3A_225 : memref<80x128xf32, #tpu.memory_space<vmem>>) target(%dma_start3A_221 : memref<80x128xf32, #tpu.memory_space<vmem_shared>>) target_semaphore(%run_scoped3A_214 : memref<!tpu.dma_semaphore, #tpu.memory_space<semaphore_mem>>)
      %dma_wait3A = arith.constant 0 : i32
      %dma_wait3A_226 = arith.constant 0 : i32
      %dma_wait3A_227 = tpu.memref_slice %arg9[%run_scoped3A_37, %dma_wait3A, %dma_wait3A_226] : memref<2x80x128xf32, #tpu.memory_space<vmem>> -> memref<1x80x128xf32, #tpu.memory_space<vmem>>
      %dma_wait3A_228 = tpu.memref_squeeze %dma_wait3A_227 : memref<1x80x128xf32, #tpu.memory_space<vmem>> -> memref<80x128xf32, #tpu.memory_space<vmem>>
      %dma_wait3A_229 = arith.constant 0 : i32
      %dma_wait3A_230 = tpu.memref_slice %arg11[%add3A_36, %dma_wait3A_229] : memref<5120x128xf32, #tpu.memory_space<vmem_shared>> -> memref<80x128xf32, #tpu.memory_space<vmem_shared>>
      %dma_wait3A_231 = arith.constant 0 : i32
      %dma_wait3A_232 = tpu.memref_slice %arg11[%add3A_36, %dma_wait3A_231] : memref<5120x128xf32, #tpu.memory_space<vmem_shared>> -> memref<80x128xf32, #tpu.memory_space<vmem_shared>>
      %dma_wait3A_233 = arith.constant 0 : i32
      %dma_wait3A_234 = arith.constant 0 : i32
      %dma_wait3A_235 = tpu.memref_slice %arg9[%run_scoped3A_37, %dma_wait3A_233, %dma_wait3A_234] : memref<2x80x128xf32, #tpu.memory_space<vmem>> -> memref<1x80x128xf32, #tpu.memory_space<vmem>>
      %dma_wait3A_236 = tpu.memref_squeeze %dma_wait3A_235 : memref<1x80x128xf32, #tpu.memory_space<vmem>> -> memref<80x128xf32, #tpu.memory_space<vmem>>
      tpu.wait_dma2 semaphore(%run_scoped3A_214 : memref<!tpu.dma_semaphore, #tpu.memory_space<semaphore_mem>>) src(%dma_wait3A_236 : memref<80x128xf32, #tpu.memory_space<vmem>>) dst(%dma_wait3A_232 : memref<80x128xf32, #tpu.memory_space<vmem_shared>>)
      tpu.yield
    }) : () -> ()
    %eq3A = arith.constant 0 : i32
    %eq3A_38 = arith.cmpi eq, %arg0, %eq3A : i32
    %eq3A_39 = arith.constant 0 : i32
    %eq3A_40 = arith.cmpi eq, %arg1, %eq3A_39 : i32
    %and3A = arith.andi %eq3A_38, %eq3A_40 : i1
    %convert_element_type3A = arith.extui %and3A : i1 to i32
    %cond3A = arith.constant 0 : i32
    %cond3A_41 = arith.cmpi ne, %convert_element_type3A, %cond3A : i32
    scf.if %cond3A_41 {
      %run_scoped3A_214 = arith.constant 0 : i32
      "tpu.region"() ({
        %run_scoped3A_215 = tpu.sem_alloc : memref<!tpu.dma_semaphore, #tpu.memory_space<semaphore_mem>>
        %dma_start3A = arith.constant 0 : i32
        %dma_start3A_216 = arith.constant 0 : i32
        %dma_start3A_217 = tpu.memref_slice %arg9[%run_scoped3A_214, %dma_start3A, %dma_start3A_216] : memref<2x80x128xf32, #tpu.memory_space<vmem>> -> memref<1x80x128xf32, #tpu.memory_space<vmem>>
        %dma_start3A_218 = tpu.memref_squeeze %dma_start3A_217 : memref<1x80x128xf32, #tpu.memory_space<vmem>> -> memref<80x128xf32, #tpu.memory_space<vmem>>
        %dma_start3A_219 = arith.constant 0 : i32
        %dma_start3A_220 = arith.constant 0 : i32
        %dma_start3A_221 = tpu.memref_slice %arg9[%run_scoped3A_214, %dma_start3A_219, %dma_start3A_220] : memref<2x80x128xf32, #tpu.memory_space<vmem>> -> memref<1x80x128xf32, #tpu.memory_space<vmem>>
        %dma_start3A_222 = tpu.memref_squeeze %dma_start3A_221 : memref<1x80x128xf32, #tpu.memory_space<vmem>> -> memref<80x128xf32, #tpu.memory_space<vmem>>
        tpu.enqueue_dma source(%dma_start3A_222 : memref<80x128xf32, #tpu.memory_space<vmem>>) target(%arg12 : memref<80x128xf32, #tpu.memory_space<vmem_shared>>) target_semaphore(%run_scoped3A_215 : memref<!tpu.dma_semaphore, #tpu.memory_space<semaphore_mem>>)
        %dma_wait3A = arith.constant 0 : i32
        %dma_wait3A_223 = arith.constant 0 : i32
        %dma_wait3A_224 = tpu.memref_slice %arg9[%run_scoped3A_214, %dma_wait3A, %dma_wait3A_223] : memref<2x80x128xf32, #tpu.memory_space<vmem>> -> memref<1x80x128xf32, #tpu.memory_space<vmem>>
        %dma_wait3A_225 = tpu.memref_squeeze %dma_wait3A_224 : memref<1x80x128xf32, #tpu.memory_space<vmem>> -> memref<80x128xf32, #tpu.memory_space<vmem>>
        %dma_wait3A_226 = arith.constant 0 : i32
        %dma_wait3A_227 = arith.constant 0 : i32
        %dma_wait3A_228 = tpu.memref_slice %arg9[%run_scoped3A_214, %dma_wait3A_226, %dma_wait3A_227] : memref<2x80x128xf32, #tpu.memory_space<vmem>> -> memref<1x80x128xf32, #tpu.memory_space<vmem>>
        %dma_wait3A_229 = tpu.memref_squeeze %dma_wait3A_228 : memref<1x80x128xf32, #tpu.memory_space<vmem>> -> memref<80x128xf32, #tpu.memory_space<vmem>>
        tpu.wait_dma2 semaphore(%run_scoped3A_215 : memref<!tpu.dma_semaphore, #tpu.memory_space<semaphore_mem>>) src(%dma_wait3A_229 : memref<80x128xf32, #tpu.memory_space<vmem>>) dst(%arg12 : memref<80x128xf32, #tpu.memory_space<vmem_shared>>)
        tpu.yield
      }) : () -> ()
    } else {
    }
    %eq3A_42 = arith.constant 0 : i32
    %eq3A_43 = arith.cmpi eq, %arg0, %eq3A_42 : i32
    %convert_element_type3A_44 = arith.extui %eq3A_43 : i1 to i32
    %cond3A_45 = arith.constant 0 : i32
    %cond3A_46 = arith.cmpi ne, %convert_element_type3A_44, %cond3A_45 : i32
    scf.if %cond3A_46 {
      %broadcast_in_dim3A_214 = arith.constant 1.000000e+00 : f32
      %broadcast_in_dim3A_215 = vector.broadcast %broadcast_in_dim3A_214 : f32 to vector<16xf32>
      %scan3A_216 = arith.constant 0 : i32
      %scan3A_217 = arith.constant 0 : i32
      %scan3A_218 = arith.constant 1250 : i32
      %scan3A_219 = arith.addi %scan3A_217, %scan3A_218 : i32
      %scan3A_220 = arith.constant 1 : i32
      scf.for %scan3A_229 = %scan3A_217 to %scan3A_219 step %scan3A_220  : i32 {
        %mul3A_230 = arith.constant 16 : i32
        %mul3A_231 = arith.muli %scan3A_229, %mul3A_230 : i32
        %get3A = arith.index_cast %mul3A_231 : i32 to index
        %get3A_232 = tpu.vector_load %arg8[%get3A] {strides = array<i32>} : memref<20480xi32, #tpu.memory_space<vmem>>, vector<16xi32>,
        %shift_right_arithmetic3A = arith.constant 7 : i32
        %shift_right_arithmetic3A_233 = vector.broadcast %shift_right_arithmetic3A : i32 to vector<16xi32>
        %shift_right_arithmetic3A_234 = arith.shrsi %get3A_232, %shift_right_arithmetic3A_233 : vector<16xi32>
        %and3A_235 = arith.constant 127 : i32
        %and3A_236 = vector.broadcast %and3A_235 : i32 to vector<16xi32>
        %and3A_237 = arith.andi %get3A_232, %and3A_236 : vector<16xi32>
        %scatter3A = arith.constant 0 : i32
        %scatter3A_238 = arith.constant 0 : i32
        %scatter3A_239 = arith.constant 0 : i32
        %scatter3A_240 = tpu.memref_slice %arg9[%scatter3A, %scatter3A_238, %scatter3A_239] : memref<2x80x128xf32, #tpu.memory_space<vmem>> -> memref<1x80x128xf32, #tpu.memory_space<vmem>>
        %scatter3A_241 = tpu.memref_squeeze %scatter3A_240 : memref<1x80x128xf32, #tpu.memory_space<vmem>> -> memref<80x128xf32, #tpu.memory_space<vmem>>
        tpu.vector_store_idx %scatter3A_241[%shift_right_arithmetic3A_234, %and3A_237], %broadcast_in_dim3A_215 {add = true} : memref<80x128xf32, #tpu.memory_space<vmem>>[vector<16xi32>, vector<16xi32>], vector<16xf32>,
      }
      %scan3A_221 = arith.constant 1250 : i32
      %iota3A_222 = tpu.iota {dimensions = array<i32: 0>} : vector<16xi32>
      %scan3A_223 = arith.constant 0 : i32
      %scan3A_224 = arith.constant 0 : i32
      %scan3A_225 = arith.constant 5 : i32
      %scan3A_226 = arith.addi %scan3A_224, %scan3A_225 : i32
      %scan3A_227 = arith.constant 1 : i32
      scf.for %scan3A_229 = %scan3A_224 to %scan3A_226 step %scan3A_227  : i32 {
        %mul3A_230 = arith.constant 16 : i32
        %mul3A_231 = arith.muli %scan3A_229, %mul3A_230 : i32
        %add3A_232 = vector.broadcast %mul3A_231 : i32 to vector<16xi32>
        %add3A_233 = arith.addi %iota3A_222, %add3A_232 : vector<16xi32>
        %mul3A_234 = arith.constant 16 : i32
        %mul3A_235 = arith.muli %scan3A_229, %mul3A_234 : i32
        %swap3A_236 = arith.index_cast %mul3A_235 : i32 to index
        %swap3A_237 = tpu.vector_load %arg10[%swap3A_236] {strides = array<i32>} : memref<80xi32, #tpu.memory_space<vmem>>, vector<16xi32>,
        tpu.vector_store %arg10[%swap3A_236], %add3A_233 {strides = array<i32>} : memref<80xi32, #tpu.memory_space<vmem>>, vector<16xi32>,
      }
      %scan3A_228 = arith.constant 5 : i32
    } else {
    }
    %mul3A_47 = arith.constant 5000 : i32
    %mul3A_48 = arith.muli %arg0, %mul3A_47 : i32
    %scan3A_49 = arith.constant 0 : i32
    %scan3A_50 = arith.constant 0 : i32
    %scan3A_51 = arith.constant 1250 : i32
    %scan3A_52 = arith.addi %scan3A_50, %scan3A_51 : i32
    %scan3A_53 = arith.constant 1 : i32
    %scan3A_54 = scf.for %scan3A_214 = %scan3A_50 to %scan3A_52 step %scan3A_53 iter_args(%scan3A_215 = %scan3A_49) -> (i32)  : i32 {
      %mul3A_216 = arith.constant 16 : i32
      %mul3A_217 = arith.muli %scan3A_214, %mul3A_216 : i32
      %get3A = arith.index_cast %mul3A_217 : i32 to index
      %get3A_218 = tpu.vector_load %arg8[%get3A] {strides = array<i32>} : memref<20480xi32, #tpu.memory_space<vmem>>, vector<16xi32>,
      %mul3A_219 = arith.constant 16 : i32
      %mul3A_220 = arith.muli %scan3A_214, %mul3A_219 : i32
      %get3A_221 = arith.index_cast %mul3A_220 : i32 to index
      %get3A_222 = tpu.vector_load %arg7[%get3A_221] {strides = array<i32>} : memref<20480xi32, #tpu.memory_space<vmem>>, vector<16xi32>,
      %ge3A = vector.broadcast %mul3A_48 : i32 to vector<16xi32>
      %ge3A_223 = arith.cmpi sge, %get3A_218, %ge3A : vector<16xi32>
      %add3A_224 = arith.constant 5000 : i32
      %add3A_225 = arith.addi %mul3A_48, %add3A_224 : i32
      %lt3A = vector.broadcast %add3A_225 : i32 to vector<16xi32>
      %lt3A_226 = arith.cmpi slt, %get3A_218, %lt3A : vector<16xi32>
      %and3A_227 = arith.andi %ge3A_223, %lt3A_226 : vector<16xi1>
      %sub3A_228 = vector.broadcast %mul3A_48 : i32 to vector<16xi32>
      %sub3A_229 = arith.subi %get3A_218, %sub3A_228 : vector<16xi32>
      %swap3A_230 = arith.index_cast %scan3A_215 : i32 to index
      %swap3A_231 = tpu.vector_load %arg8[%swap3A_230] masked %and3A_227 {strides = array<i32>} : memref<20480xi32, #tpu.memory_space<vmem>>, vector<16xi32>, vector<16xi1>
      tpu.vector_store %arg8[%swap3A_230], %sub3A_229 masked %and3A_227 {strides = array<i32>} : memref<20480xi32, #tpu.memory_space<vmem>>, vector<16xi32>, vector<16xi1>
      %swap3A_232 = arith.index_cast %scan3A_215 : i32 to index
      %swap3A_233 = tpu.vector_load %arg7[%swap3A_232] masked %and3A_227 {strides = array<i32>} : memref<20480xi32, #tpu.memory_space<vmem>>, vector<16xi32>, vector<16xi1>
      tpu.vector_store %arg7[%swap3A_232], %get3A_222 masked %and3A_227 {strides = array<i32>} : memref<20480xi32, #tpu.memory_space<vmem>>, vector<16xi32>, vector<16xi1>
      %all_reduce_population_count3A = tpu.all_reduce %and3A_227 {dim = 0 : i64, kind = #tpu.reduction_kind<sum>} : vector<16xi1> -> vector<16xi32>
      %slice3A = vector.extract_strided_slice %all_reduce_population_count3A {offsets = [0], sizes = [1], strides = [1]} : vector<16xi32> to vector<1xi32>
      %squeeze3A = vector.extract %slice3A[0] : i32 from vector<1xi32>
      %add3A_234 = arith.addi %scan3A_215, %squeeze3A : i32
      scf.yield %add3A_234 : i32
    }
    %scan3A_55 = arith.constant 1250 : i32
    %iota3A = tpu.iota {dimensions = array<i32: 0>} : vector<16xi32>
    %broadcast_in_dim3A = arith.constant 0 : i32
    %broadcast_in_dim3A_56 = vector.broadcast %broadcast_in_dim3A : i32 to vector<16xi32>
    %add3A_57 = arith.constant 5056 : i32
    %add3A_58 = vector.broadcast %add3A_57 : i32 to vector<16xi32>
    %add3A_59 = arith.addi %add3A_58, %iota3A : vector<16xi32>
    %add3A_60 = arith.constant 0 : i32
    %add3A_61 = arith.addi %scan3A_54, %add3A_60 : i32
    %swap3A = arith.index_cast %add3A_61 : i32 to index
    %swap3A_62 = tpu.vector_load %arg8[%swap3A] {strides = array<i32>} : memref<20480xi32, #tpu.memory_space<vmem>>, vector<16xi32>,
    tpu.vector_store %arg8[%swap3A], %add3A_59 {strides = array<i32>} : memref<20480xi32, #tpu.memory_space<vmem>>, vector<16xi32>,
    %add3A_63 = arith.constant 0 : i32
    %add3A_64 = arith.addi %scan3A_54, %add3A_63 : i32
    %swap3A_65 = arith.index_cast %add3A_64 : i32 to index
    %swap3A_66 = tpu.vector_load %arg7[%swap3A_65] {strides = array<i32>} : memref<20480xi32, #tpu.memory_space<vmem>>, vector<16xi32>,
    tpu.vector_store %arg7[%swap3A_65], %broadcast_in_dim3A_56 {strides = array<i32>} : memref<20480xi32, #tpu.memory_space<vmem>>, vector<16xi32>,
    %add3A_67 = arith.constant 5056 : i32
    %add3A_68 = vector.broadcast %add3A_67 : i32 to vector<16xi32>
    %add3A_69 = arith.addi %add3A_68, %iota3A : vector<16xi32>
    %add3A_70 = arith.constant 16 : i32
    %add3A_71 = arith.addi %scan3A_54, %add3A_70 : i32
    %swap3A_72 = arith.index_cast %add3A_71 : i32 to index
    %swap3A_73 = tpu.vector_load %arg8[%swap3A_72] {strides = array<i32>} : memref<20480xi32, #tpu.memory_space<vmem>>, vector<16xi32>,
    tpu.vector_store %arg8[%swap3A_72], %add3A_69 {strides = array<i32>} : memref<20480xi32, #tpu.memory_space<vmem>>, vector<16xi32>,
    %add3A_74 = arith.constant 16 : i32
    %add3A_75 = arith.addi %scan3A_54, %add3A_74 : i32
    %swap3A_76 = arith.index_cast %add3A_75 : i32 to index
    %swap3A_77 = tpu.vector_load %arg7[%swap3A_76] {strides = array<i32>} : memref<20480xi32, #tpu.memory_space<vmem>>, vector<16xi32>,
    tpu.vector_store %arg7[%swap3A_76], %broadcast_in_dim3A_56 {strides = array<i32>} : memref<20480xi32, #tpu.memory_space<vmem>>, vector<16xi32>,
    %add3A_78 = arith.constant 5056 : i32
    %add3A_79 = vector.broadcast %add3A_78 : i32 to vector<16xi32>
    %add3A_80 = arith.addi %add3A_79, %iota3A : vector<16xi32>
    %add3A_81 = arith.constant 32 : i32
    %add3A_82 = arith.addi %scan3A_54, %add3A_81 : i32
    %swap3A_83 = arith.index_cast %add3A_82 : i32 to index
    %swap3A_84 = tpu.vector_load %arg8[%swap3A_83] {strides = array<i32>} : memref<20480xi32, #tpu.memory_space<vmem>>, vector<16xi32>,
    tpu.vector_store %arg8[%swap3A_83], %add3A_80 {strides = array<i32>} : memref<20480xi32, #tpu.memory_space<vmem>>, vector<16xi32>,
    %add3A_85 = arith.constant 32 : i32
    %add3A_86 = arith.addi %scan3A_54, %add3A_85 : i32
    %swap3A_87 = arith.index_cast %add3A_86 : i32 to index
    %swap3A_88 = tpu.vector_load %arg7[%swap3A_87] {strides = array<i32>} : memref<20480xi32, #tpu.memory_space<vmem>>, vector<16xi32>,
    tpu.vector_store %arg7[%swap3A_87], %broadcast_in_dim3A_56 {strides = array<i32>} : memref<20480xi32, #tpu.memory_space<vmem>>, vector<16xi32>,
    %add3A_89 = arith.constant 5056 : i32
    %add3A_90 = vector.broadcast %add3A_89 : i32 to vector<16xi32>
    %add3A_91 = arith.addi %add3A_90, %iota3A : vector<16xi32>
    %add3A_92 = arith.constant 48 : i32
    %add3A_93 = arith.addi %scan3A_54, %add3A_92 : i32
    %swap3A_94 = arith.index_cast %add3A_93 : i32 to index
    %swap3A_95 = tpu.vector_load %arg8[%swap3A_94] {strides = array<i32>} : memref<20480xi32, #tpu.memory_space<vmem>>, vector<16xi32>,
    tpu.vector_store %arg8[%swap3A_94], %add3A_91 {strides = array<i32>} : memref<20480xi32, #tpu.memory_space<vmem>>, vector<16xi32>,
    %add3A_96 = arith.constant 48 : i32
    %add3A_97 = arith.addi %scan3A_54, %add3A_96 : i32
    %swap3A_98 = arith.index_cast %add3A_97 : i32 to index
    %swap3A_99 = tpu.vector_load %arg7[%swap3A_98] {strides = array<i32>} : memref<20480xi32, #tpu.memory_space<vmem>>, vector<16xi32>,
    tpu.vector_store %arg7[%swap3A_98], %broadcast_in_dim3A_56 {strides = array<i32>} : memref<20480xi32, #tpu.memory_space<vmem>>, vector<16xi32>,
    %add3A_100 = arith.constant 5056 : i32
    %add3A_101 = vector.broadcast %add3A_100 : i32 to vector<16xi32>
    %add3A_102 = arith.addi %add3A_101, %iota3A : vector<16xi32>
    %add3A_103 = arith.constant 64 : i32
    %add3A_104 = arith.addi %scan3A_54, %add3A_103 : i32
    %swap3A_105 = arith.index_cast %add3A_104 : i32 to index
    %swap3A_106 = tpu.vector_load %arg8[%swap3A_105] {strides = array<i32>} : memref<20480xi32, #tpu.memory_space<vmem>>, vector<16xi32>,
    tpu.vector_store %arg8[%swap3A_105], %add3A_102 {strides = array<i32>} : memref<20480xi32, #tpu.memory_space<vmem>>, vector<16xi32>,
    %add3A_107 = arith.constant 64 : i32
    %add3A_108 = arith.addi %scan3A_54, %add3A_107 : i32
    %swap3A_109 = arith.index_cast %add3A_108 : i32 to index
    %swap3A_110 = tpu.vector_load %arg7[%swap3A_109] {strides = array<i32>} : memref<20480xi32, #tpu.memory_space<vmem>>, vector<16xi32>,
    tpu.vector_store %arg7[%swap3A_109], %broadcast_in_dim3A_56 {strides = array<i32>} : memref<20480xi32, #tpu.memory_space<vmem>>, vector<16xi32>,
    %add3A_111 = arith.constant 5056 : i32
    %add3A_112 = vector.broadcast %add3A_111 : i32 to vector<16xi32>
    %add3A_113 = arith.addi %add3A_112, %iota3A : vector<16xi32>
    %add3A_114 = arith.constant 80 : i32
    %add3A_115 = arith.addi %scan3A_54, %add3A_114 : i32
    %swap3A_116 = arith.index_cast %add3A_115 : i32 to index
    %swap3A_117 = tpu.vector_load %arg8[%swap3A_116] {strides = array<i32>} : memref<20480xi32, #tpu.memory_space<vmem>>, vector<16xi32>,
    tpu.vector_store %arg8[%swap3A_116], %add3A_113 {strides = array<i32>} : memref<20480xi32, #tpu.memory_space<vmem>>, vector<16xi32>,
    %add3A_118 = arith.constant 80 : i32
    %add3A_119 = arith.addi %scan3A_54, %add3A_118 : i32
    %swap3A_120 = arith.index_cast %add3A_119 : i32 to index
    %swap3A_121 = tpu.vector_load %arg7[%swap3A_120] {strides = array<i32>} : memref<20480xi32, #tpu.memory_space<vmem>>, vector<16xi32>,
    tpu.vector_store %arg7[%swap3A_120], %broadcast_in_dim3A_56 {strides = array<i32>} : memref<20480xi32, #tpu.memory_space<vmem>>, vector<16xi32>,
    %add3A_122 = arith.constant 5056 : i32
    %add3A_123 = vector.broadcast %add3A_122 : i32 to vector<16xi32>
    %add3A_124 = arith.addi %add3A_123, %iota3A : vector<16xi32>
    %add3A_125 = arith.constant 96 : i32
    %add3A_126 = arith.addi %scan3A_54, %add3A_125 : i32
    %swap3A_127 = arith.index_cast %add3A_126 : i32 to index
    %swap3A_128 = tpu.vector_load %arg8[%swap3A_127] {strides = array<i32>} : memref<20480xi32, #tpu.memory_space<vmem>>, vector<16xi32>,
    tpu.vector_store %arg8[%swap3A_127], %add3A_124 {strides = array<i32>} : memref<20480xi32, #tpu.memory_space<vmem>>, vector<16xi32>,
    %add3A_129 = arith.constant 96 : i32
    %add3A_130 = arith.addi %scan3A_54, %add3A_129 : i32
    %swap3A_131 = arith.index_cast %add3A_130 : i32 to index
    %swap3A_132 = tpu.vector_load %arg7[%swap3A_131] {strides = array<i32>} : memref<20480xi32, #tpu.memory_space<vmem>>, vector<16xi32>,
    tpu.vector_store %arg7[%swap3A_131], %broadcast_in_dim3A_56 {strides = array<i32>} : memref<20480xi32, #tpu.memory_space<vmem>>, vector<16xi32>,
    %add3A_133 = arith.constant 5056 : i32
    %add3A_134 = vector.broadcast %add3A_133 : i32 to vector<16xi32>
    %add3A_135 = arith.addi %add3A_134, %iota3A : vector<16xi32>
    %add3A_136 = arith.constant 112 : i32
    %add3A_137 = arith.addi %scan3A_54, %add3A_136 : i32
    %swap3A_138 = arith.index_cast %add3A_137 : i32 to index
    %swap3A_139 = tpu.vector_load %arg8[%swap3A_138] {strides = array<i32>} : memref<20480xi32, #tpu.memory_space<vmem>>, vector<16xi32>,
    tpu.vector_store %arg8[%swap3A_138], %add3A_135 {strides = array<i32>} : memref<20480xi32, #tpu.memory_space<vmem>>, vector<16xi32>,
    %add3A_140 = arith.constant 112 : i32
    %add3A_141 = arith.addi %scan3A_54, %add3A_140 : i32
    %swap3A_142 = arith.index_cast %add3A_141 : i32 to index
    %swap3A_143 = tpu.vector_load %arg7[%swap3A_142] {strides = array<i32>} : memref<20480xi32, #tpu.memory_space<vmem>>, vector<16xi32>,
    tpu.vector_store %arg7[%swap3A_142], %broadcast_in_dim3A_56 {strides = array<i32>} : memref<20480xi32, #tpu.memory_space<vmem>>, vector<16xi32>,
    %add3A_144 = arith.constant 5056 : i32
    %add3A_145 = vector.broadcast %add3A_144 : i32 to vector<16xi32>
    %add3A_146 = arith.addi %add3A_145, %iota3A : vector<16xi32>
    %add3A_147 = arith.constant 128 : i32
    %add3A_148 = arith.addi %scan3A_54, %add3A_147 : i32
    %swap3A_149 = arith.index_cast %add3A_148 : i32 to index
    %swap3A_150 = tpu.vector_load %arg8[%swap3A_149] {strides = array<i32>} : memref<20480xi32, #tpu.memory_space<vmem>>, vector<16xi32>,
    tpu.vector_store %arg8[%swap3A_149], %add3A_146 {strides = array<i32>} : memref<20480xi32, #tpu.memory_space<vmem>>, vector<16xi32>,
    %add3A_151 = arith.constant 128 : i32
    %add3A_152 = arith.addi %scan3A_54, %add3A_151 : i32
    %swap3A_153 = arith.index_cast %add3A_152 : i32 to index
    %swap3A_154 = tpu.vector_load %arg7[%swap3A_153] {strides = array<i32>} : memref<20480xi32, #tpu.memory_space<vmem>>, vector<16xi32>,
    tpu.vector_store %arg7[%swap3A_153], %broadcast_in_dim3A_56 {strides = array<i32>} : memref<20480xi32, #tpu.memory_space<vmem>>, vector<16xi32>,
    %add3A_155 = arith.constant 5056 : i32
    %add3A_156 = vector.broadcast %add3A_155 : i32 to vector<16xi32>
    %add3A_157 = arith.addi %add3A_156, %iota3A : vector<16xi32>
    %add3A_158 = arith.constant 144 : i32
    %add3A_159 = arith.addi %scan3A_54, %add3A_158 : i32
    %swap3A_160 = arith.index_cast %add3A_159 : i32 to index
    %swap3A_161 = tpu.vector_load %arg8[%swap3A_160] {strides = array<i32>} : memref<20480xi32, #tpu.memory_space<vmem>>, vector<16xi32>,
    tpu.vector_store %arg8[%swap3A_160], %add3A_157 {strides = array<i32>} : memref<20480xi32, #tpu.memory_space<vmem>>, vector<16xi32>,
    %add3A_162 = arith.constant 144 : i32
    %add3A_163 = arith.addi %scan3A_54, %add3A_162 : i32
    %swap3A_164 = arith.index_cast %add3A_163 : i32 to index
    %swap3A_165 = tpu.vector_load %arg7[%swap3A_164] {strides = array<i32>} : memref<20480xi32, #tpu.memory_space<vmem>>, vector<16xi32>,
    tpu.vector_store %arg7[%swap3A_164], %broadcast_in_dim3A_56 {strides = array<i32>} : memref<20480xi32, #tpu.memory_space<vmem>>, vector<16xi32>,
    %add3A_166 = arith.constant 160 : i32
    %add3A_167 = arith.addi %scan3A_54, %add3A_166 : i32
    %sub3A = arith.constant 1 : i32
    %sub3A_168 = arith.subi %add3A_167, %sub3A : i32
    %jit3A = arith.constant 160 : i32
    %div3A = arith.divsi %sub3A_168, %jit3A : i32
    %sign3A = arith.constant 0 : i32
    %sign3A_169 = arith.cmpi sgt, %sub3A_168, %sign3A : i32
    %sign3A_170 = arith.extui %sign3A_169 : i1 to i32
    %sign3A_171 = arith.constant 0 : i32
    %sign3A_172 = arith.cmpi slt, %sub3A_168, %sign3A_171 : i32
    %sign3A_173 = arith.extui %sign3A_172 : i1 to i32
    %sign3A_174 = arith.subi %sign3A_170, %sign3A_173 : i32
    %sign3A_175 = arith.constant 0 : i32
    %sign3A_176 = arith.cmpi sgt, %jit3A, %sign3A_175 : i32
    %sign3A_177 = arith.extui %sign3A_176 : i1 to i32
    %sign3A_178 = arith.constant 0 : i32
    %sign3A_179 = arith.cmpi slt, %jit3A, %sign3A_178 : i32
    %sign3A_180 = arith.extui %sign3A_179 : i1 to i32
    %sign3A_181 = arith.subi %sign3A_177, %sign3A_180 : i32
    %ne3A = arith.cmpi ne, %sign3A_174, %sign3A_181 : i32
    %rem3A = arith.remsi %sub3A_168, %jit3A : i32
    %ne3A_182 = arith.constant 0 : i32
    %ne3A_183 = arith.cmpi ne, %rem3A, %ne3A_182 : i32
    %and3A_184 = arith.andi %ne3A, %ne3A_183 : i1
    %sub3A_185 = arith.constant 1 : i32
    %sub3A_186 = arith.subi %div3A, %sub3A_185 : i32
    %select_n3A = arith.select %and3A_184, %sub3A_186, %div3A : i32
    %barrier3A = arith.constant 0 : index
    tpu.barrier barrier_id(%barrier3A)
    %eq3A_187 = arith.constant 0 : i32
    %eq3A_188 = arith.cmpi eq, %arg0, %eq3A_187 : i32
    %convert_element_type3A_189 = arith.extui %eq3A_188 : i1 to i32
    %cond3A_190 = arith.constant 0 : i32
    %cond3A_191 = arith.cmpi ne, %convert_element_type3A_189, %cond3A_190 : i32
    scf.if %cond3A_191 {
      %run_scoped3A_214 = arith.constant 0 : i32
      "tpu.region"() ({
        %run_scoped3A_215 = tpu.sem_alloc : memref<!tpu.dma_semaphore, #tpu.memory_space<semaphore_mem>>
        %dma_start3A = arith.constant 0 : i32
        %dma_start3A_216 = arith.constant 0 : i32
        %dma_start3A_217 = tpu.memref_slice %arg9[%run_scoped3A_214, %dma_start3A, %dma_start3A_216] : memref<2x80x128xf32, #tpu.memory_space<vmem>> -> memref<1x80x128xf32, #tpu.memory_space<vmem>>
        %dma_start3A_218 = tpu.memref_squeeze %dma_start3A_217 : memref<1x80x128xf32, #tpu.memory_space<vmem>> -> memref<80x128xf32, #tpu.memory_space<vmem>>
        %dma_start3A_219 = arith.constant 0 : i32
        %dma_start3A_220 = arith.constant 0 : i32
        %dma_start3A_221 = tpu.memref_slice %arg12[%dma_start3A_219, %dma_start3A_220] : memref<80x128xf32, #tpu.memory_space<vmem_shared>> -> memref<80x128xf32, #tpu.memory_space<vmem_shared>>
        tpu.enqueue_indirect_dma source(%dma_start3A_218 : memref<80x128xf32, #tpu.memory_space<vmem>>) target(%dma_start3A_221 : memref<80x128xf32, #tpu.memory_space<vmem_shared>>) offsets(%arg10 : memref<80xi32, #tpu.memory_space<vmem>>) semaphore(%run_scoped3A_215 : memref<!tpu.dma_semaphore, #tpu.memory_space<semaphore_mem>>) {add = true}
        %dma_wait3A = arith.constant 0 : i32
        %dma_wait3A_222 = arith.constant 0 : i32
        %dma_wait3A_223 = tpu.memref_slice %arg9[%run_scoped3A_214, %dma_wait3A, %dma_wait3A_222] : memref<2x80x128xf32, #tpu.memory_space<vmem>> -> memref<1x80x128xf32, #tpu.memory_space<vmem>>
        %dma_wait3A_224 = tpu.memref_squeeze %dma_wait3A_223 : memref<1x80x128xf32, #tpu.memory_space<vmem>> -> memref<80x128xf32, #tpu.memory_space<vmem>>
        %dma_wait3A_225 = arith.constant 0 : i32
        %dma_wait3A_226 = arith.constant 0 : i32
        %dma_wait3A_227 = tpu.memref_slice %arg12[%dma_wait3A_225, %dma_wait3A_226] : memref<80x128xf32, #tpu.memory_space<vmem_shared>> -> memref<80x128xf32, #tpu.memory_space<vmem_shared>>
        tpu.wait_indirect_dma semaphore(%run_scoped3A_215 : memref<!tpu.dma_semaphore, #tpu.memory_space<semaphore_mem>>) src(%dma_wait3A_224 : memref<80x128xf32, #tpu.memory_space<vmem>>) dst(%dma_wait3A_227 : memref<80x128xf32, #tpu.memory_space<vmem_shared>>)
        tpu.yield
      }) : () -> ()
    } else {
    }
    %while3A = arith.constant 0 : i32
    %while3A_192 = arith.constant 0 : i32
    %while3A_193 = arith.subi %select_n3A, %while3A_192 : i32
    %while3A_194 = arith.addi %while3A_192, %while3A_193 : i32
    %while3A_195 = arith.constant 1 : i32
    %while3A_196 = arith.divsi %while3A_193, %while3A_195 : i32
    %while3A_197 = arith.muli %while3A_196, %while3A_195 : i32
    %while3A_198 = arith.addi %while3A_192, %while3A_197 : i32
    %while3A_199 = arith.constant 1 : i32
    scf.for %while3A_214 = %while3A_192 to %while3A_198 step %while3A_199  : i32 {
      %mul3A_215 = arith.constant 2 : i32
      %mul3A_216 = arith.muli %mul3A_215, %while3A_214 : i32
      %mul3A_217 = arith.constant 80 : i32
      %mul3A_218 = arith.muli %mul3A_216, %mul3A_217 : i32
      %dma_start3A = arith.constant 0 : i32
      %dma_start3A_219 = arith.constant 0 : i32
      %dma_start3A_220 = arith.constant 0 : i32
      %dma_start3A_221 = tpu.memref_slice %arg9[%dma_start3A, %dma_start3A_219, %dma_start3A_220] : memref<2x80x128xf32, #tpu.memory_space<vmem>> -> memref<1x80x128xf32, #tpu.memory_space<vmem>>
      %dma_start3A_222 = tpu.memref_squeeze %dma_start3A_221 : memref<1x80x128xf32, #tpu.memory_space<vmem>> -> memref<80x128xf32, #tpu.memory_space<vmem>>
      %dma_start3A_223 = tpu.memref_slice %arg7[%mul3A_218] : memref<20480xi32, #tpu.memory_space<vmem>> -> memref<80xi32, #tpu.memory_space<vmem>>
      %dma_start3A_224 = arith.constant 0 : i32
      %dma_start3A_225 = arith.constant 0 : i32
      %dma_start3A_226 = tpu.memref_slice %arg2[%dma_start3A_224, %dma_start3A_225] : memref<10000x128xf32, #tpu.memory_space<hbm>> -> memref<10000x128xf32, #tpu.memory_space<hbm>>
      tpu.enqueue_indirect_dma source(%dma_start3A_226 : memref<10000x128xf32, #tpu.memory_space<hbm>>) target(%dma_start3A_222 : memref<80x128xf32, #tpu.memory_space<vmem>>) offsets(%dma_start3A_223 : memref<80xi32, #tpu.memory_space<vmem>>) semaphore(%arg13 : memref<!tpu.dma_semaphore, #tpu.memory_space<semaphore_mem>>)
      %add3A_227 = arith.constant 1 : i32
      %add3A_228 = arith.addi %mul3A_216, %add3A_227 : i32
      %mul3A_229 = arith.constant 80 : i32
      %mul3A_230 = arith.muli %add3A_228, %mul3A_229 : i32
      %dma_start3A_231 = arith.constant 1 : i32
      %dma_start3A_232 = arith.constant 0 : i32
      %dma_start3A_233 = arith.constant 0 : i32
      %dma_start3A_234 = tpu.memref_slice %arg9[%dma_start3A_231, %dma_start3A_232, %dma_start3A_233] : memref<2x80x128xf32, #tpu.memory_space<vmem>> -> memref<1x80x128xf32, #tpu.memory_space<vmem>>
      %dma_start3A_235 = tpu.memref_squeeze %dma_start3A_234 : memref<1x80x128xf32, #tpu.memory_space<vmem>> -> memref<80x128xf32, #tpu.memory_space<vmem>>
      %dma_start3A_236 = tpu.memref_slice %arg7[%mul3A_230] : memref<20480xi32, #tpu.memory_space<vmem>> -> memref<80xi32, #tpu.memory_space<vmem>>
      %dma_start3A_237 = arith.constant 0 : i32
      %dma_start3A_238 = arith.constant 0 : i32
      %dma_start3A_239 = tpu.memref_slice %arg2[%dma_start3A_237, %dma_start3A_238] : memref<10000x128xf32, #tpu.memory_space<hbm>> -> memref<10000x128xf32, #tpu.memory_space<hbm>>
      tpu.enqueue_indirect_dma source(%dma_start3A_239 : memref<10000x128xf32, #tpu.memory_space<hbm>>) target(%dma_start3A_235 : memref<80x128xf32, #tpu.memory_space<vmem>>) offsets(%dma_start3A_236 : memref<80xi32, #tpu.memory_space<vmem>>) semaphore(%arg14 : memref<!tpu.dma_semaphore, #tpu.memory_space<semaphore_mem>>)
      %dma_wait3A = arith.constant 0 : i32
      %dma_wait3A_240 = arith.constant 0 : i32
      %dma_wait3A_241 = arith.constant 0 : i32
      %dma_wait3A_242 = tpu.memref_slice %arg9[%dma_wait3A, %dma_wait3A_240, %dma_wait3A_241] : memref<2x80x128xf32, #tpu.memory_space<vmem>> -> memref<1x80x128xf32, #tpu.memory_space<vmem>>
      %dma_wait3A_243 = tpu.memref_squeeze %dma_wait3A_242 : memref<1x80x128xf32, #tpu.memory_space<vmem>> -> memref<80x128xf32, #tpu.memory_space<vmem>>
      %dma_wait3A_244 = tpu.memref_slice %arg7[%mul3A_218] : memref<20480xi32, #tpu.memory_space<vmem>> -> memref<80xi32, #tpu.memory_space<vmem>>
      %dma_wait3A_245 = arith.constant 0 : i32
      %dma_wait3A_246 = arith.constant 0 : i32
      %dma_wait3A_247 = tpu.memref_slice %arg2[%dma_wait3A_245, %dma_wait3A_246] : memref<10000x128xf32, #tpu.memory_space<hbm>> -> memref<10000x128xf32, #tpu.memory_space<hbm>>
      tpu.wait_indirect_dma semaphore(%arg13 : memref<!tpu.dma_semaphore, #tpu.memory_space<semaphore_mem>>) src(%dma_wait3A_247 : memref<10000x128xf32, #tpu.memory_space<hbm>>) dst(%dma_wait3A_243 : memref<80x128xf32, #tpu.memory_space<vmem>>)
      %mul3A_248 = arith.constant 80 : i32
      %mul3A_249 = arith.muli %mul3A_216, %mul3A_248 : i32
      %run_scoped3A_250 = arith.constant 0 : i32
      "tpu.region"() ({
        %run_scoped3A_265 = tpu.sem_alloc : memref<!tpu.dma_semaphore, #tpu.memory_space<semaphore_mem>>
        %dma_start3A_266 = arith.constant 0 : i32
        %dma_start3A_267 = arith.constant 0 : i32
        %dma_start3A_268 = tpu.memref_slice %arg9[%run_scoped3A_250, %dma_start3A_266, %dma_start3A_267] : memref<2x80x128xf32, #tpu.memory_space<vmem>> -> memref<1x80x128xf32, #tpu.memory_space<vmem>>
        %dma_start3A_269 = tpu.memref_squeeze %dma_start3A_268 : memref<1x80x128xf32, #tpu.memory_space<vmem>> -> memref<80x128xf32, #tpu.memory_space<vmem>>
        %dma_start3A_270 = tpu.memref_slice %arg8[%mul3A_249] : memref<20480xi32, #tpu.memory_space<vmem>> -> memref<80xi32, #tpu.memory_space<vmem>>
        %dma_start3A_271 = arith.constant 0 : i32
        %dma_start3A_272 = arith.constant 0 : i32
        %dma_start3A_273 = tpu.memref_slice %arg11[%dma_start3A_271, %dma_start3A_272] : memref<5120x128xf32, #tpu.memory_space<vmem_shared>> -> memref<5120x128xf32, #tpu.memory_space<vmem_shared>>
        tpu.enqueue_indirect_dma source(%dma_start3A_269 : memref<80x128xf32, #tpu.memory_space<vmem>>) target(%dma_start3A_273 : memref<5120x128xf32, #tpu.memory_space<vmem_shared>>) offsets(%dma_start3A_270 : memref<80xi32, #tpu.memory_space<vmem>>) semaphore(%run_scoped3A_265 : memref<!tpu.dma_semaphore, #tpu.memory_space<semaphore_mem>>) {add = true}
        %dma_wait3A_274 = arith.constant 0 : i32
        %dma_wait3A_275 = arith.constant 0 : i32
        %dma_wait3A_276 = tpu.memref_slice %arg9[%run_scoped3A_250, %dma_wait3A_274, %dma_wait3A_275] : memref<2x80x128xf32, #tpu.memory_space<vmem>> -> memref<1x80x128xf32, #tpu.memory_space<vmem>>
        %dma_wait3A_277 = tpu.memref_squeeze %dma_wait3A_276 : memref<1x80x128xf32, #tpu.memory_space<vmem>> -> memref<80x128xf32, #tpu.memory_space<vmem>>
        %dma_wait3A_278 = tpu.memref_slice %arg8[%mul3A_249] : memref<20480xi32, #tpu.memory_space<vmem>> -> memref<80xi32, #tpu.memory_space<vmem>>
        %dma_wait3A_279 = arith.constant 0 : i32
        %dma_wait3A_280 = arith.constant 0 : i32
        %dma_wait3A_281 = tpu.memref_slice %arg11[%dma_wait3A_279, %dma_wait3A_280] : memref<5120x128xf32, #tpu.memory_space<vmem_shared>> -> memref<5120x128xf32, #tpu.memory_space<vmem_shared>>
        tpu.wait_indirect_dma semaphore(%run_scoped3A_265 : memref<!tpu.dma_semaphore, #tpu.memory_space<semaphore_mem>>) src(%dma_wait3A_277 : memref<80x128xf32, #tpu.memory_space<vmem>>) dst(%dma_wait3A_281 : memref<5120x128xf32, #tpu.memory_space<vmem_shared>>)
        tpu.yield
      }) : () -> ()
      %dma_wait3A_251 = arith.constant 1 : i32
      %dma_wait3A_252 = arith.constant 0 : i32
      %dma_wait3A_253 = arith.constant 0 : i32
      %dma_wait3A_254 = tpu.memref_slice %arg9[%dma_wait3A_251, %dma_wait3A_252, %dma_wait3A_253] : memref<2x80x128xf32, #tpu.memory_space<vmem>> -> memref<1x80x128xf32, #tpu.memory_space<vmem>>
      %dma_wait3A_255 = tpu.memref_squeeze %dma_wait3A_254 : memref<1x80x128xf32, #tpu.memory_space<vmem>> -> memref<80x128xf32, #tpu.memory_space<vmem>>
      %dma_wait3A_256 = tpu.memref_slice %arg7[%mul3A_230] : memref<20480xi32, #tpu.memory_space<vmem>> -> memref<80xi32, #tpu.memory_space<vmem>>
      %dma_wait3A_257 = arith.constant 0 : i32
      %dma_wait3A_258 = arith.constant 0 : i32
      %dma_wait3A_259 = tpu.memref_slice %arg2[%dma_wait3A_257, %dma_wait3A_258] : memref<10000x128xf32, #tpu.memory_space<hbm>> -> memref<10000x128xf32, #tpu.memory_space<hbm>>
      tpu.wait_indirect_dma semaphore(%arg14 : memref<!tpu.dma_semaphore, #tpu.memory_space<semaphore_mem>>) src(%dma_wait3A_259 : memref<10000x128xf32, #tpu.memory_space<hbm>>) dst(%dma_wait3A_255 : memref<80x128xf32, #tpu.memory_space<vmem>>)
      %add3A_260 = arith.constant 1 : i32
      %add3A_261 = arith.addi %mul3A_216, %add3A_260 : i32
      %mul3A_262 = arith.constant 80 : i32
      %mul3A_263 = arith.muli %add3A_261, %mul3A_262 : i32
      %run_scoped3A_264 = arith.constant 1 : i32
      "tpu.region"() ({
        %run_scoped3A_265 = tpu.sem_alloc : memref<!tpu.dma_semaphore, #tpu.memory_space<semaphore_mem>>
        %dma_start3A_266 = arith.constant 0 : i32
        %dma_start3A_267 = arith.constant 0 : i32
        %dma_start3A_268 = tpu.memref_slice %arg9[%run_scoped3A_264, %dma_start3A_266, %dma_start3A_267] : memref<2x80x128xf32, #tpu.memory_space<vmem>> -> memref<1x80x128xf32, #tpu.memory_space<vmem>>
        %dma_start3A_269 = tpu.memref_squeeze %dma_start3A_268 : memref<1x80x128xf32, #tpu.memory_space<vmem>> -> memref<80x128xf32, #tpu.memory_space<vmem>>
        %dma_start3A_270 = tpu.memref_slice %arg8[%mul3A_263] : memref<20480xi32, #tpu.memory_space<vmem>> -> memref<80xi32, #tpu.memory_space<vmem>>
        %dma_start3A_271 = arith.constant 0 : i32
        %dma_start3A_272 = arith.constant 0 : i32
        %dma_start3A_273 = tpu.memref_slice %arg11[%dma_start3A_271, %dma_start3A_272] : memref<5120x128xf32, #tpu.memory_space<vmem_shared>> -> memref<5120x128xf32, #tpu.memory_space<vmem_shared>>
        tpu.enqueue_indirect_dma source(%dma_start3A_269 : memref<80x128xf32, #tpu.memory_space<vmem>>) target(%dma_start3A_273 : memref<5120x128xf32, #tpu.memory_space<vmem_shared>>) offsets(%dma_start3A_270 : memref<80xi32, #tpu.memory_space<vmem>>) semaphore(%run_scoped3A_265 : memref<!tpu.dma_semaphore, #tpu.memory_space<semaphore_mem>>) {add = true}
        %dma_wait3A_274 = arith.constant 0 : i32
        %dma_wait3A_275 = arith.constant 0 : i32
        %dma_wait3A_276 = tpu.memref_slice %arg9[%run_scoped3A_264, %dma_wait3A_274, %dma_wait3A_275] : memref<2x80x128xf32, #tpu.memory_space<vmem>> -> memref<1x80x128xf32, #tpu.memory_space<vmem>>
        %dma_wait3A_277 = tpu.memref_squeeze %dma_wait3A_276 : memref<1x80x128xf32, #tpu.memory_space<vmem>> -> memref<80x128xf32, #tpu.memory_space<vmem>>
        %dma_wait3A_278 = tpu.memref_slice %arg8[%mul3A_263] : memref<20480xi32, #tpu.memory_space<vmem>> -> memref<80xi32, #tpu.memory_space<vmem>>
        %dma_wait3A_279 = arith.constant 0 : i32
        %dma_wait3A_280 = arith.constant 0 : i32
        %dma_wait3A_281 = tpu.memref_slice %arg11[%dma_wait3A_279, %dma_wait3A_280] : memref<5120x128xf32, #tpu.memory_space<vmem_shared>> -> memref<5120x128xf32, #tpu.memory_space<vmem_shared>>
        tpu.wait_indirect_dma semaphore(%run_scoped3A_265 : memref<!tpu.dma_semaphore, #tpu.memory_space<semaphore_mem>>) src(%dma_wait3A_277 : memref<80x128xf32, #tpu.memory_space<vmem>>) dst(%dma_wait3A_281 : memref<5120x128xf32, #tpu.memory_space<vmem_shared>>)
        tpu.yield
      }) : () -> ()
    }
    %while3A_200 = arith.constant 1 : i32
    scf.for %while3A_214 = %while3A_198 to %while3A_194 step %while3A_200  : i32 {
      %mul3A_215 = arith.constant 2 : i32
      %mul3A_216 = arith.muli %mul3A_215, %while3A_214 : i32
      %mul3A_217 = arith.constant 80 : i32
      %mul3A_218 = arith.muli %mul3A_216, %mul3A_217 : i32
      %dma_start3A = arith.constant 0 : i32
      %dma_start3A_219 = arith.constant 0 : i32
      %dma_start3A_220 = arith.constant 0 : i32
      %dma_start3A_221 = tpu.memref_slice %arg9[%dma_start3A, %dma_start3A_219, %dma_start3A_220] : memref<2x80x128xf32, #tpu.memory_space<vmem>> -> memref<1x80x128xf32, #tpu.memory_space<vmem>>
      %dma_start3A_222 = tpu.memref_squeeze %dma_start3A_221 : memref<1x80x128xf32, #tpu.memory_space<vmem>> -> memref<80x128xf32, #tpu.memory_space<vmem>>
      %dma_start3A_223 = tpu.memref_slice %arg7[%mul3A_218] : memref<20480xi32, #tpu.memory_space<vmem>> -> memref<80xi32, #tpu.memory_space<vmem>>
      %dma_start3A_224 = arith.constant 0 : i32
      %dma_start3A_225 = arith.constant 0 : i32
      %dma_start3A_226 = tpu.memref_slice %arg2[%dma_start3A_224, %dma_start3A_225] : memref<10000x128xf32, #tpu.memory_space<hbm>> -> memref<10000x128xf32, #tpu.memory_space<hbm>>
      tpu.enqueue_indirect_dma source(%dma_start3A_226 : memref<10000x128xf32, #tpu.memory_space<hbm>>) target(%dma_start3A_222 : memref<80x128xf32, #tpu.memory_space<vmem>>) offsets(%dma_start3A_223 : memref<80xi32, #tpu.memory_space<vmem>>) semaphore(%arg13 : memref<!tpu.dma_semaphore, #tpu.memory_space<semaphore_mem>>)
      %add3A_227 = arith.constant 1 : i32
      %add3A_228 = arith.addi %mul3A_216, %add3A_227 : i32
      %mul3A_229 = arith.constant 80 : i32
      %mul3A_230 = arith.muli %add3A_228, %mul3A_229 : i32
      %dma_start3A_231 = arith.constant 1 : i32
      %dma_start3A_232 = arith.constant 0 : i32
      %dma_start3A_233 = arith.constant 0 : i32
      %dma_start3A_234 = tpu.memref_slice %arg9[%dma_start3A_231, %dma_start3A_232, %dma_start3A_233] : memref<2x80x128xf32, #tpu.memory_space<vmem>> -> memref<1x80x128xf32, #tpu.memory_space<vmem>>
      %dma_start3A_235 = tpu.memref_squeeze %dma_start3A_234 : memref<1x80x128xf32, #tpu.memory_space<vmem>> -> memref<80x128xf32, #tpu.memory_space<vmem>>
      %dma_start3A_236 = tpu.memref_slice %arg7[%mul3A_230] : memref<20480xi32, #tpu.memory_space<vmem>> -> memref<80xi32, #tpu.memory_space<vmem>>
      %dma_start3A_237 = arith.constant 0 : i32
      %dma_start3A_238 = arith.constant 0 : i32
      %dma_start3A_239 = tpu.memref_slice %arg2[%dma_start3A_237, %dma_start3A_238] : memref<10000x128xf32, #tpu.memory_space<hbm>> -> memref<10000x128xf32, #tpu.memory_space<hbm>>
      tpu.enqueue_indirect_dma source(%dma_start3A_239 : memref<10000x128xf32, #tpu.memory_space<hbm>>) target(%dma_start3A_235 : memref<80x128xf32, #tpu.memory_space<vmem>>) offsets(%dma_start3A_236 : memref<80xi32, #tpu.memory_space<vmem>>) semaphore(%arg14 : memref<!tpu.dma_semaphore, #tpu.memory_space<semaphore_mem>>)
      %dma_wait3A = arith.constant 0 : i32
      %dma_wait3A_240 = arith.constant 0 : i32
      %dma_wait3A_241 = arith.constant 0 : i32
      %dma_wait3A_242 = tpu.memref_slice %arg9[%dma_wait3A, %dma_wait3A_240, %dma_wait3A_241] : memref<2x80x128xf32, #tpu.memory_space<vmem>> -> memref<1x80x128xf32, #tpu.memory_space<vmem>>
      %dma_wait3A_243 = tpu.memref_squeeze %dma_wait3A_242 : memref<1x80x128xf32, #tpu.memory_space<vmem>> -> memref<80x128xf32, #tpu.memory_space<vmem>>
      %dma_wait3A_244 = tpu.memref_slice %arg7[%mul3A_218] : memref<20480xi32, #tpu.memory_space<vmem>> -> memref<80xi32, #tpu.memory_space<vmem>>
      %dma_wait3A_245 = arith.constant 0 : i32
      %dma_wait3A_246 = arith.constant 0 : i32
      %dma_wait3A_247 = tpu.memref_slice %arg2[%dma_wait3A_245, %dma_wait3A_246] : memref<10000x128xf32, #tpu.memory_space<hbm>> -> memref<10000x128xf32, #tpu.memory_space<hbm>>
      tpu.wait_indirect_dma semaphore(%arg13 : memref<!tpu.dma_semaphore, #tpu.memory_space<semaphore_mem>>) src(%dma_wait3A_247 : memref<10000x128xf32, #tpu.memory_space<hbm>>) dst(%dma_wait3A_243 : memref<80x128xf32, #tpu.memory_space<vmem>>)
      %mul3A_248 = arith.constant 80 : i32
      %mul3A_249 = arith.muli %mul3A_216, %mul3A_248 : i32
      %run_scoped3A_250 = arith.constant 0 : i32
      "tpu.region"() ({
        %run_scoped3A_265 = tpu.sem_alloc : memref<!tpu.dma_semaphore, #tpu.memory_space<semaphore_mem>>
        %dma_start3A_266 = arith.constant 0 : i32
        %dma_start3A_267 = arith.constant 0 : i32
        %dma_start3A_268 = tpu.memref_slice %arg9[%run_scoped3A_250, %dma_start3A_266, %dma_start3A_267] : memref<2x80x128xf32, #tpu.memory_space<vmem>> -> memref<1x80x128xf32, #tpu.memory_space<vmem>>
        %dma_start3A_269 = tpu.memref_squeeze %dma_start3A_268 : memref<1x80x128xf32, #tpu.memory_space<vmem>> -> memref<80x128xf32, #tpu.memory_space<vmem>>
        %dma_start3A_270 = tpu.memref_slice %arg8[%mul3A_249] : memref<20480xi32, #tpu.memory_space<vmem>> -> memref<80xi32, #tpu.memory_space<vmem>>
        %dma_start3A_271 = arith.constant 0 : i32
        %dma_start3A_272 = arith.constant 0 : i32
        %dma_start3A_273 = tpu.memref_slice %arg11[%dma_start3A_271, %dma_start3A_272] : memref<5120x128xf32, #tpu.memory_space<vmem_shared>> -> memref<5120x128xf32, #tpu.memory_space<vmem_shared>>
        tpu.enqueue_indirect_dma source(%dma_start3A_269 : memref<80x128xf32, #tpu.memory_space<vmem>>) target(%dma_start3A_273 : memref<5120x128xf32, #tpu.memory_space<vmem_shared>>) offsets(%dma_start3A_270 : memref<80xi32, #tpu.memory_space<vmem>>) semaphore(%run_scoped3A_265 : memref<!tpu.dma_semaphore, #tpu.memory_space<semaphore_mem>>) {add = true}
        %dma_wait3A_274 = arith.constant 0 : i32
        %dma_wait3A_275 = arith.constant 0 : i32
        %dma_wait3A_276 = tpu.memref_slice %arg9[%run_scoped3A_250, %dma_wait3A_274, %dma_wait3A_275] : memref<2x80x128xf32, #tpu.memory_space<vmem>> -> memref<1x80x128xf32, #tpu.memory_space<vmem>>
        %dma_wait3A_277 = tpu.memref_squeeze %dma_wait3A_276 : memref<1x80x128xf32, #tpu.memory_space<vmem>> -> memref<80x128xf32, #tpu.memory_space<vmem>>
        %dma_wait3A_278 = tpu.memref_slice %arg8[%mul3A_249] : memref<20480xi32, #tpu.memory_space<vmem>> -> memref<80xi32, #tpu.memory_space<vmem>>
        %dma_wait3A_279 = arith.constant 0 : i32
        %dma_wait3A_280 = arith.constant 0 : i32
        %dma_wait3A_281 = tpu.memref_slice %arg11[%dma_wait3A_279, %dma_wait3A_280] : memref<5120x128xf32, #tpu.memory_space<vmem_shared>> -> memref<5120x128xf32, #tpu.memory_space<vmem_shared>>
        tpu.wait_indirect_dma semaphore(%run_scoped3A_265 : memref<!tpu.dma_semaphore, #tpu.memory_space<semaphore_mem>>) src(%dma_wait3A_277 : memref<80x128xf32, #tpu.memory_space<vmem>>) dst(%dma_wait3A_281 : memref<5120x128xf32, #tpu.memory_space<vmem_shared>>)
        tpu.yield
      }) : () -> ()
      %dma_wait3A_251 = arith.constant 1 : i32
      %dma_wait3A_252 = arith.constant 0 : i32
      %dma_wait3A_253 = arith.constant 0 : i32
      %dma_wait3A_254 = tpu.memref_slice %arg9[%dma_wait3A_251, %dma_wait3A_252, %dma_wait3A_253] : memref<2x80x128xf32, #tpu.memory_space<vmem>> -> memref<1x80x128xf32, #tpu.memory_space<vmem>>
      %dma_wait3A_255 = tpu.memref_squeeze %dma_wait3A_254 : memref<1x80x128xf32, #tpu.memory_space<vmem>> -> memref<80x128xf32, #tpu.memory_space<vmem>>
      %dma_wait3A_256 = tpu.memref_slice %arg7[%mul3A_230] : memref<20480xi32, #tpu.memory_space<vmem>> -> memref<80xi32, #tpu.memory_space<vmem>>
      %dma_wait3A_257 = arith.constant 0 : i32
      %dma_wait3A_258 = arith.constant 0 : i32
      %dma_wait3A_259 = tpu.memref_slice %arg2[%dma_wait3A_257, %dma_wait3A_258] : memref<10000x128xf32, #tpu.memory_space<hbm>> -> memref<10000x128xf32, #tpu.memory_space<hbm>>
      tpu.wait_indirect_dma semaphore(%arg14 : memref<!tpu.dma_semaphore, #tpu.memory_space<semaphore_mem>>) src(%dma_wait3A_259 : memref<10000x128xf32, #tpu.memory_space<hbm>>) dst(%dma_wait3A_255 : memref<80x128xf32, #tpu.memory_space<vmem>>)
      %add3A_260 = arith.constant 1 : i32
      %add3A_261 = arith.addi %mul3A_216, %add3A_260 : i32
      %mul3A_262 = arith.constant 80 : i32
      %mul3A_263 = arith.muli %add3A_261, %mul3A_262 : i32
      %run_scoped3A_264 = arith.constant 1 : i32
      "tpu.region"() ({
        %run_scoped3A_265 = tpu.sem_alloc : memref<!tpu.dma_semaphore, #tpu.memory_space<semaphore_mem>>
        %dma_start3A_266 = arith.constant 0 : i32
        %dma_start3A_267 = arith.constant 0 : i32
        %dma_start3A_268 = tpu.memref_slice %arg9[%run_scoped3A_264, %dma_start3A_266, %dma_start3A_267] : memref<2x80x128xf32, #tpu.memory_space<vmem>> -> memref<1x80x128xf32, #tpu.memory_space<vmem>>
        %dma_start3A_269 = tpu.memref_squeeze %dma_start3A_268 : memref<1x80x128xf32, #tpu.memory_space<vmem>> -> memref<80x128xf32, #tpu.memory_space<vmem>>
        %dma_start3A_270 = tpu.memref_slice %arg8[%mul3A_263] : memref<20480xi32, #tpu.memory_space<vmem>> -> memref<80xi32, #tpu.memory_space<vmem>>
        %dma_start3A_271 = arith.constant 0 : i32
        %dma_start3A_272 = arith.constant 0 : i32
        %dma_start3A_273 = tpu.memref_slice %arg11[%dma_start3A_271, %dma_start3A_272] : memref<5120x128xf32, #tpu.memory_space<vmem_shared>> -> memref<5120x128xf32, #tpu.memory_space<vmem_shared>>
        tpu.enqueue_indirect_dma source(%dma_start3A_269 : memref<80x128xf32, #tpu.memory_space<vmem>>) target(%dma_start3A_273 : memref<5120x128xf32, #tpu.memory_space<vmem_shared>>) offsets(%dma_start3A_270 : memref<80xi32, #tpu.memory_space<vmem>>) semaphore(%run_scoped3A_265 : memref<!tpu.dma_semaphore, #tpu.memory_space<semaphore_mem>>) {add = true}
        %dma_wait3A_274 = arith.constant 0 : i32
        %dma_wait3A_275 = arith.constant 0 : i32
        %dma_wait3A_276 = tpu.memref_slice %arg9[%run_scoped3A_264, %dma_wait3A_274, %dma_wait3A_275] : memref<2x80x128xf32, #tpu.memory_space<vmem>> -> memref<1x80x128xf32, #tpu.memory_space<vmem>>
        %dma_wait3A_277 = tpu.memref_squeeze %dma_wait3A_276 : memref<1x80x128xf32, #tpu.memory_space<vmem>> -> memref<80x128xf32, #tpu.memory_space<vmem>>
        %dma_wait3A_278 = tpu.memref_slice %arg8[%mul3A_263] : memref<20480xi32, #tpu.memory_space<vmem>> -> memref<80xi32, #tpu.memory_space<vmem>>
        %dma_wait3A_279 = arith.constant 0 : i32
        %dma_wait3A_280 = arith.constant 0 : i32
        %dma_wait3A_281 = tpu.memref_slice %arg11[%dma_wait3A_279, %dma_wait3A_280] : memref<5120x128xf32, #tpu.memory_space<vmem_shared>> -> memref<5120x128xf32, #tpu.memory_space<vmem_shared>>
        tpu.wait_indirect_dma semaphore(%run_scoped3A_265 : memref<!tpu.dma_semaphore, #tpu.memory_space<semaphore_mem>>) src(%dma_wait3A_277 : memref<80x128xf32, #tpu.memory_space<vmem>>) dst(%dma_wait3A_281 : memref<5120x128xf32, #tpu.memory_space<vmem_shared>>)
        tpu.yield
      }) : () -> ()
    }
    %barrier3A_201 = arith.constant 0 : index
    tpu.barrier barrier_id(%barrier3A_201)
    %mul3A_202 = arith.constant 320 : i32
    %mul3A_203 = arith.muli %arg1, %mul3A_202 : i32
    %mul3A_204 = arith.constant 320 : i32
    %mul3A_205 = arith.muli %arg1, %mul3A_204 : i32
    "tpu.region"() ({
      %run_scoped3A_214 = tpu.sem_alloc : memref<!tpu.dma_semaphore, #tpu.memory_space<semaphore_mem>>
      %dma_start3A = arith.constant 0 : i32
      %dma_start3A_215 = tpu.memref_slice %arg5[%arg0, %mul3A_205, %dma_start3A] : memref<2x5120x128xf32, #tpu.memory_space<hbm>> -> memref<1x320x128xf32, #tpu.memory_space<hbm>>
      %dma_start3A_216 = tpu.memref_squeeze %dma_start3A_215 : memref<1x320x128xf32, #tpu.memory_space<hbm>> -> memref<320x128xf32, #tpu.memory_space<hbm>>
      %dma_start3A_217 = arith.constant 0 : i32
      %dma_start3A_218 = tpu.memref_slice %arg11[%mul3A_203, %dma_start3A_217] : memref<5120x128xf32, #tpu.memory_space<vmem_shared>> -> memref<320x128xf32, #tpu.memory_space<vmem_shared>>
      tpu.enqueue_dma source(%dma_start3A_218 : memref<320x128xf32, #tpu.memory_space<vmem_shared>>) target(%dma_start3A_216 : memref<320x128xf32, #tpu.memory_space<hbm>>) target_semaphore(%run_scoped3A_214 : memref<!tpu.dma_semaphore, #tpu.memory_space<semaphore_mem>>)
      %dma_wait3A = arith.constant 0 : i32
      %dma_wait3A_219 = tpu.memref_slice %arg5[%arg0, %mul3A_205, %dma_wait3A] : memref<2x5120x128xf32, #tpu.memory_space<hbm>> -> memref<1x320x128xf32, #tpu.memory_space<hbm>>
      %dma_wait3A_220 = tpu.memref_squeeze %dma_wait3A_219 : memref<1x320x128xf32, #tpu.memory_space<hbm>> -> memref<320x128xf32, #tpu.memory_space<hbm>>
      %dma_wait3A_221 = arith.constant 0 : i32
      %dma_wait3A_222 = tpu.memref_slice %arg11[%mul3A_203, %dma_wait3A_221] : memref<5120x128xf32, #tpu.memory_space<vmem_shared>> -> memref<320x128xf32, #tpu.memory_space<vmem_shared>>
      tpu.wait_dma2 semaphore(%run_scoped3A_214 : memref<!tpu.dma_semaphore, #tpu.memory_space<semaphore_mem>>) src(%dma_wait3A_222 : memref<320x128xf32, #tpu.memory_space<vmem_shared>>) dst(%dma_wait3A_220 : memref<320x128xf32, #tpu.memory_space<hbm>>)
      tpu.yield
    }) : () -> ()
    %eq3A_206 = arith.constant 0 : i32
    %eq3A_207 = arith.cmpi eq, %arg0, %eq3A_206 : i32
    %eq3A_208 = arith.constant 0 : i32
    %eq3A_209 = arith.cmpi eq, %arg1, %eq3A_208 : i32
    %and3A_210 = arith.andi %eq3A_207, %eq3A_209 : i1
    %convert_element_type3A_211 = arith.extui %and3A_210 : i1 to i32
    %cond3A_212 = arith.constant 0 : i32
    %cond3A_213 = arith.cmpi ne, %convert_element_type3A_211, %cond3A_212 : i32
    scf.if %cond3A_213 {
      "tpu.region"() ({
        %run_scoped3A_214 = tpu.sem_alloc : memref<!tpu.dma_semaphore, #tpu.memory_space<semaphore_mem>>
        tpu.enqueue_dma source(%arg12 : memref<80x128xf32, #tpu.memory_space<vmem_shared>>) target(%arg6 : memref<80x128xf32, #tpu.memory_space<hbm>>) target_semaphore(%run_scoped3A_214 : memref<!tpu.dma_semaphore, #tpu.memory_space<semaphore_mem>>)
        tpu.wait_dma2 semaphore(%run_scoped3A_214 : memref<!tpu.dma_semaphore, #tpu.memory_space<semaphore_mem>>) src(%arg12 : memref<80x128xf32, #tpu.memory_space<vmem_shared>>) dst(%arg6 : memref<80x128xf32, #tpu.memory_space<hbm>>)
        tpu.yield
      }) : () -> ()
    } else {
    }
    return
  }
}

module attributes {stable_mosaic.version = 14 : i64} {
  func.func @_dense_body(%arg0: i32, %arg1: memref<1x1000x128xf32, #tpu.memory_space<vmem>>, %arg2: memref<1000x1xf32, #tpu.memory_space<vmem>>, %arg3: memref<1000x128xf32, #tpu.memory_space<vmem>>, %arg4: memref<128x128xf32, #tpu.memory_space<vmem>>, %arg5: memref<128x128xf32, #tpu.memory_space<vmem>>, %arg6: memref<1x128xf32, #tpu.memory_space<vmem>>, %arg7: memref<1x1xf32, #tpu.memory_space<vmem>>, %arg8: memref<1000x128xf32, #tpu.memory_space<vmem>>) attributes {dimension_semantics = [#tpu.dimension_semantics<arbitrary>], iteration_bounds = array<i64: 10>, scalar_prefetch = 0 : i64, scratch_operands = 0 : i64, tpu.core_type = #tpu.core_type<tc>, window_params = [{transform_indices = @transform_0, window_bounds = array<i64: 1, 1000, 128>}, {transform_indices = @transform_1, window_bounds = array<i64: 1000, 1>}, {transform_indices = @transform_2, window_bounds = array<i64: 1000, 128>}, {pipeline_mode = #tpu.pipeline_mode<synchronous>, transform_indices = @transform_3, window_bounds = array<i64: 128, 128>}, {pipeline_mode = #tpu.pipeline_mode<synchronous>, transform_indices = @transform_4, window_bounds = array<i64: 128, 128>}, {pipeline_mode = #tpu.pipeline_mode<synchronous>, transform_indices = @transform_5, window_bounds = array<i64: 1, 128>}, {pipeline_mode = #tpu.pipeline_mode<synchronous>, transform_indices = @transform_6, window_bounds = array<i64: 1, 1>}, {transform_indices = @transform_7, window_bounds = array<i64: 1000, 128>}]} {
    %get3A = arith.constant 0 : index
    %get3A_0 = arith.constant 0 : index
    %get3A_1 = vector.load %arg2[%get3A, %get3A_0] : memref<1000x1xf32, #tpu.memory_space<vmem>>, vector<1000x1xf32>
    %max3A = arith.constant 1.000000e+00 : f32
    %max3A_2 = vector.broadcast %max3A : f32 to vector<1000x1xf32>
    %max3A_3 = arith.maximumf %get3A_1, %max3A_2 : vector<1000x1xf32>
    %get3A_4 = arith.constant 0 : index
    %get3A_5 = arith.constant 0 : index
    %get3A_6 = arith.constant 0 : index
    %get3A_7 = vector.load %arg1[%get3A_4, %get3A_5, %get3A_6] : memref<1x1000x128xf32, #tpu.memory_space<vmem>>, vector<1x1000x128xf32>
    %get3A_8 = vector.shape_cast %get3A_7 : vector<1x1000x128xf32> to vector<1000x128xf32>
    %div3A = vector.broadcast %max3A_3 : vector<1000x1xf32> to vector<1000x128xf32>
    %div3A_9 = arith.divf %get3A_8, %div3A : vector<1000x128xf32>
    %get3A_10 = arith.constant 0 : index
    %get3A_11 = arith.constant 0 : index
    %get3A_12 = vector.load %arg4[%get3A_10, %get3A_11] : memref<128x128xf32, #tpu.memory_space<vmem>>, vector<128x128xf32>
    %dot_general3A = arith.constant dense<0.000000e+00> : vector<1000x128xf32>
    %dot_general3A_13 = tpu.matmul %div3A_9, %get3A_12, %dot_general3A {dimension_numbers = #tpu.dot_dimension_numbers<[1], [0], [0], [1], [0, 0, 1, 1], [], []>, transpose_lhs_hint = false} : vector<1000x128xf32>, vector<128x128xf32>, vector<1000x128xf32> -> vector<1000x128xf32>
    %get3A_14 = arith.constant 0 : index
    %get3A_15 = arith.constant 0 : index
    %get3A_16 = vector.load %arg3[%get3A_14, %get3A_15] : memref<1000x128xf32, #tpu.memory_space<vmem>>, vector<1000x128xf32>
    %get3A_17 = arith.constant 0 : index
    %get3A_18 = arith.constant 0 : index
    %get3A_19 = vector.load %arg5[%get3A_17, %get3A_18] : memref<128x128xf32, #tpu.memory_space<vmem>>, vector<128x128xf32>
    %dot_general3A_20 = arith.constant dense<0.000000e+00> : vector<1000x128xf32>
    %dot_general3A_21 = tpu.matmul %get3A_16, %get3A_19, %dot_general3A_20 {dimension_numbers = #tpu.dot_dimension_numbers<[1], [0], [0], [1], [0, 0, 1, 1], [], []>, transpose_lhs_hint = false} : vector<1000x128xf32>, vector<128x128xf32>, vector<1000x128xf32> -> vector<1000x128xf32>
    %add3A = arith.addf %dot_general3A_13, %dot_general3A_21 : vector<1000x128xf32>
    %get3A_22 = arith.constant 0 : index
    %get3A_23 = arith.constant 0 : index
    %get3A_24 = vector.load %arg6[%get3A_22, %get3A_23] : memref<1x128xf32, #tpu.memory_space<vmem>>, vector<1x128xf32>
    %add3A_25 = vector.broadcast %get3A_24 : vector<1x128xf32> to vector<1000x128xf32>
    %add3A_26 = arith.addf %add3A, %add3A_25 : vector<1000x128xf32>
    %max3A_27 = arith.constant 0.000000e+00 : f32
    %max3A_28 = vector.broadcast %max3A_27 : f32 to vector<1000x128xf32>
    %max3A_29 = arith.maximumf %add3A_26, %max3A_28 : vector<1000x128xf32>
    %abs3A = math.absf %add3A_26 : vector<1000x128xf32>
    %neg3A = arith.constant 0.000000e+00 : f32
    %neg3A_30 = vector.broadcast %neg3A : f32 to vector<1000x128xf32>
    %neg3A_31 = arith.subf %neg3A_30, %abs3A : vector<1000x128xf32>
    %exp3A = math.exp %neg3A_31 : vector<1000x128xf32>
    %log1p3A = math.log1p %exp3A : vector<1000x128xf32>
    %add3A_32 = arith.addf %max3A_29, %log1p3A : vector<1000x128xf32>
    %tanh3A = math.tanh %add3A_32 : vector<1000x128xf32>
    %mul3A = arith.mulf %add3A_26, %tanh3A : vector<1000x128xf32>
    %get3A_33 = arith.constant 0 : index
    %get3A_34 = arith.constant 0 : index
    %get3A_35 = vector.load %arg7[%get3A_33, %get3A_34] : memref<1x1xf32, #tpu.memory_space<vmem>>, vector<1x1xf32>
    %get3A_36 = vector.extract %get3A_35[0, 0] : f32 from vector<1x1xf32>
    %gt3A = arith.constant 0.000000e+00 : f32
    %gt3A_37 = arith.cmpf ogt, %get3A_36, %gt3A : f32
    %select_n3A = arith.select %gt3A_37, %mul3A, %add3A_26 : vector<1000x128xf32>
    %swap3A = arith.constant 0 : index
    %swap3A_38 = arith.constant 0 : index
    %swap3A_39 = vector.load %arg8[%swap3A, %swap3A_38] : memref<1000x128xf32, #tpu.memory_space<vmem>>, vector<1000x128xf32>
    tpu.vector_store %arg8[%swap3A, %swap3A_38], %select_n3A {strides = array<i32>} : memref<1000x128xf32, #tpu.memory_space<vmem>>, vector<1000x128xf32>,
    return
  }
  func.func @transform_0(%arg0: i32) -> (i32, i32, i32) {
    %jit3A = arith.constant 5 : i32
    %div3A = arith.divsi %arg0, %jit3A : i32
    %sign3A = arith.constant 0 : i32
    %sign3A_0 = arith.cmpi sgt, %arg0, %sign3A : i32
    %sign3A_1 = arith.extui %sign3A_0 : i1 to i32
    %sign3A_2 = arith.constant 0 : i32
    %sign3A_3 = arith.cmpi slt, %arg0, %sign3A_2 : i32
    %sign3A_4 = arith.extui %sign3A_3 : i1 to i32
    %sign3A_5 = arith.subi %sign3A_1, %sign3A_4 : i32
    %sign3A_6 = arith.constant 0 : i32
    %sign3A_7 = arith.cmpi sgt, %jit3A, %sign3A_6 : i32
    %sign3A_8 = arith.extui %sign3A_7 : i1 to i32
    %sign3A_9 = arith.constant 0 : i32
    %sign3A_10 = arith.cmpi slt, %jit3A, %sign3A_9 : i32
    %sign3A_11 = arith.extui %sign3A_10 : i1 to i32
    %sign3A_12 = arith.subi %sign3A_8, %sign3A_11 : i32
    %ne3A = arith.cmpi ne, %sign3A_5, %sign3A_12 : i32
    %rem3A = arith.remsi %arg0, %jit3A : i32
    %ne3A_13 = arith.constant 0 : i32
    %ne3A_14 = arith.cmpi ne, %rem3A, %ne3A_13 : i32
    %and3A = arith.andi %ne3A, %ne3A_14 : i1
    %sub3A = arith.constant 1 : i32
    %sub3A_15 = arith.subi %div3A, %sub3A : i32
    %select_n3A = arith.select %and3A, %sub3A_15, %div3A : i32
    %jit3A_16 = arith.constant 5 : i32
    %eq3A = arith.constant 0 : i32
    %eq3A_17 = arith.cmpi eq, %jit3A_16, %eq3A : i32
    %jit3A_18 = arith.constant 1 : i32
    %select_n3A_19 = arith.select %eq3A_17, %jit3A_18, %jit3A_16 : i32
    %rem3A_20 = arith.remsi %arg0, %select_n3A_19 : i32
    %ne3A_21 = arith.constant 0 : i32
    %ne3A_22 = arith.cmpi ne, %rem3A_20, %ne3A_21 : i32
    %lt3A = arith.constant 0 : i32
    %lt3A_23 = arith.cmpi slt, %rem3A_20, %lt3A : i32
    %lt3A_24 = arith.constant 0 : i32
    %lt3A_25 = arith.cmpi slt, %select_n3A_19, %lt3A_24 : i32
    %ne3A_26 = arith.xori %lt3A_23, %lt3A_25 : i1
    %and3A_27 = arith.andi %ne3A_26, %ne3A_22 : i1
    %add3A = arith.addi %rem3A_20, %select_n3A_19 : i32
    %select_n3A_28 = arith.select %and3A_27, %add3A, %rem3A_20 : i32
    %c0_i32 = arith.constant 0 : i32
    %c0_i32_29 = arith.constant 0 : i32
    return %select_n3A, %select_n3A_28, %c0_i32 : i32, i32, i32
  }
  func.func @transform_1(%arg0: i32) -> (i32, i32) {
    %c0_i32 = arith.constant 0 : i32
    %c0_i32_0 = arith.constant 0 : i32
    return %arg0, %c0_i32 : i32, i32
  }
  func.func @transform_2(%arg0: i32) -> (i32, i32) {
    %c0_i32 = arith.constant 0 : i32
    %c0_i32_0 = arith.constant 0 : i32
    return %arg0, %c0_i32 : i32, i32
  }
  func.func @transform_3(%arg0: i32) -> (i32, i32) {
    %c0_i32 = arith.constant 0 : i32
    %c0_i32_0 = arith.constant 0 : i32
    %c0_i32_1 = arith.constant 0 : i32
    return %c0_i32, %c0_i32_0 : i32, i32
  }
  func.func @transform_4(%arg0: i32) -> (i32, i32) {
    %c0_i32 = arith.constant 0 : i32
    %c0_i32_0 = arith.constant 0 : i32
    %c0_i32_1 = arith.constant 0 : i32
    return %c0_i32, %c0_i32_0 : i32, i32
  }
  func.func @transform_5(%arg0: i32) -> (i32, i32) {
    %c0_i32 = arith.constant 0 : i32
    %c0_i32_0 = arith.constant 0 : i32
    %c0_i32_1 = arith.constant 0 : i32
    return %c0_i32, %c0_i32_0 : i32, i32
  }
  func.func @transform_6(%arg0: i32) -> (i32, i32) {
    %c0_i32 = arith.constant 0 : i32
    %c0_i32_0 = arith.constant 0 : i32
    %c0_i32_1 = arith.constant 0 : i32
    return %c0_i32, %c0_i32_0 : i32, i32
  }
  func.func @transform_7(%arg0: i32) -> (i32, i32) {
    %c0_i32 = arith.constant 0 : i32
    %c0_i32_0 = arith.constant 0 : i32
    return %arg0, %c0_i32 : i32, i32
  }
}

</mosaic_0001>

<sc_bundles>
// kernel: closed_call.9.cloned.1.call-start
scs
__scs_entry_jumppad:
0x0: {  	(pc) =	sbr.rel $0x88, $3  }
0x1: {  	(tag) =	ssettag $0x0;
	lr =	simm.s32 $0x1  }
0x2: {  	[smem:$0x3F90] =	sst lr;
	_ =	strace $0xD0000000  }
0x3: {  	_ = 	snop  }
0x4: {  	_ = 	snop  }
0x5: {  	_ = 	snop  }
0x6: {  	_ = 	snop  }
0x7: {  	_ = 	snop  }
__scs_overlays_trampoline_lowered:
0x8: {  	[smem:$0x3F9F] =	sst s0  }
0x9: {  	[smem:$0x3FA0] =	sst s1  }
0xa: {  	[smem:$0x3FA1] =	sst s2  }
0xb: {  	[smem:$0x3FA2] =	sst s3  }
0xc: {  	[smem:$0x3FA3] =	sst s4  }
0xd: {  	[smem:$0x3FA4] =	sst s5  }
0xe: {  	[smem:$0x3FA5] =	sst s6  }
0xf: {  	[smem:$0x3FA6] =	sst s7  }
0x10: {  	[smem:$0x3FA7] =	sst s8  }
0x11: {  	[smem:$0x3FA8] =	sst s9;
	s0 =	simm.s32 @!p0 $0x0  }
0x12: {  	s1 =	sld [smem:$0x3F8E];
	s0 =	simm.s32 @p0 $0x1  }
0x13: {  	[smem:$0x3FA9] =	sst s0;
	s0 =	simm.s32 @!p1 $0x0  }
0x14: {  	s2 =	sld [smem:$0x3F8D];
	s0 =	simm.s32 @p1 $0x1  }
0x15: {  	[smem:$0x3FAA] =	sst s0;
	s0 =	simm.s32 @!p2 $0x0  }
0x16: {  	s3 =	sld [smem:$0x3FDB];
	s0 =	simm.s32 @p2 $0x1  }
0x17: {  	s4 =	simm.s32 $0x1BF5;
	[smem:$0x3FAC] =	sst s0  }
0x18: {  	s0 =	sld [smem:$0x3F8F];
	_ =	swait.ge [sflag:s4], $0x0  }
0x19: {  	s7 =	sld [smem:$0x3F90]  }
0x1a: {  	s8 =	sadd.s32 $0xFFFFE003, lr  }
0x1b: {  	s9 =	sadd.s32 $0xFFFFFEF7, lr;
	s5 =	simm.s32 $0xFFFFFFFF;
	p2 =	slt.u32 s8, $0xFFFFF086  }
0x1c: {  	p1 =	slt.u32 s9, $0xF7A;
	s5 =	simm.s32 @!p2 $0x0  }
0x1d: {  	s5 =	simm.s32 @p1 $0x1;
	p0 =	seq.s32 s7, s2  }
0x1e: {  	s7 =	smul.u32 @!p0 $0xF7A, s2;
	p2 =	seq.s32 @!p0 s5, $0x0  }
0x1f: {  	s9 =	smul.u32 $0xF7A, s1;
	s8 =	simm.s32 @!p0 $0x1BF5;
	p2 =	por !p2, p0  }
0x20: {  	[sflag:s8] =	ssyncset.s32 @!p0 $0xFFFFF086;
	s6 =	sadd.s32 @!p0 s3, s7;
	s7 =	simm.s32 @!p0 $0x108  }
0x21: {  	s3 =	sadd.s32 s3, s9;
	s6 =	sadd.s32 @!p0 $0x88, s6;
	s7 =	simm.s32 @p2 $0x1082  }
0x22: {  	[simem:s7], [sflag:s8] =	dma.local @!p0 [hbm:s6], $0xF7A  }
0x23: {  	s9 =	sor.u32 $0xD0000000, s2;
	s6 =	simm.s32 $0x108;
	_ =	swait.ge @!p0 [sflag:s8], $0x0  }
0x24: {  	s3 =	sadd.s32 $0x88, s3;
	s6 =	simm.s32 @!p1 $0x1082;
	[sflag:s4] =	ssyncset.s32 $0xFFFFF086  }
0x25: {  	[simem:s6], [sflag:s4] =	dma.local [hbm:s3], $0xF7A  }
0x26: {  	[smem:$0x3F90] =	sst s1;
	(tag) =	ssettag s2;
	_ =	strace s9  }
0x27: {  	s1 =	sld [smem:$0x3FA0]  }
0x28: {  	s2 =	sld [smem:$0x3FA1]  }
0x29: {  	s4 =	sld [smem:$0x3FA3]  }
0x2a: {  	p0 =	seq.s32 s5, $0x0;
	s5 =	sld [smem:$0x3FA4]  }
0x2b: {  	s6 =	sld [smem:$0x3FA5]  }
0x2c: {  	s7 =	sld [smem:$0x3FA6]  }
0x2d: {  	s3 =	simm.s32 $0x108;
	s8 =	sld [smem:$0x3FA7]  }
0x2e: {  	s3 =	simm.s32 @!p0 $0x1082;
	s9 =	sld [smem:$0x3FA8]  }
0x2f: {  	lr =	sadd.s32 s0, s3;
	s0 =	sld [smem:$0x3F9F]  }
0x30: {  	s3 =	sld [smem:$0x3FA2]  }
0x31: {  	[smem:$0x3FAB] =	sst s10  }
0x32: {  	s10 =	sld [smem:$0x3FA9];
	_ =	sdelay $0x3  }
0x33: {  	p0 =	seq.s32 s10, $0x1;
	s10 =	sld [smem:$0x3FAB];
	_ =	sdelay $0x3  }
0x34: {  	[smem:$0x3FAB] =	sst s10  }
0x35: {  	s10 =	sld [smem:$0x3FAA];
	_ =	sdelay $0x3  }
0x36: {  	p1 =	seq.s32 s10, $0x1;
	s10 =	sld [smem:$0x3FAB];
	_ =	sdelay $0x3  }
0x37: {  	[smem:$0x3FAB] =	sst s10  }
0x38: {  	s10 =	sld [smem:$0x3FAC]  }
0x39: {  	_ = 	snop;
	(pc) =	sbr.ind lr, $3  }
0x3a: {  	_ = 	snop  }
0x3b: {  	_ = 	snop  }
0x3c: {  	p2 =	seq.s32 s10, $0x1;
	s10 =	sld [smem:$0x3FAB]  }
0x3d: {  	_ =	shalt  }
0x3e: {  	_ =	shalt  }
0x3f: {  	_ =	shalt  }
0x40: {  	_ =	shalt  }
0x41: {  	_ =	shalt  }
0x42: {  	_ =	shalt  }
0x43: {  	_ =	shalt  }
0x44: {  	_ =	shalt  }
0x45: {  	_ =	shalt  }
0x46: {  	_ =	shalt  }
0x47: {  	_ =	shalt  }
0x48: {  	_ =	shalt  }
0x49: {  	_ =	shalt  }
0x4a: {  	_ =	shalt  }
0x4b: {  	_ =	shalt  }
0x4c: {  	_ =	shalt  }
0x4d: {  	_ =	shalt  }
0x4e: {  	_ =	shalt  }
0x4f: {  	_ =	shalt  }
0x50: {  	_ =	shalt  }
0x51: {  	_ =	shalt  }
0x52: {  	_ =	shalt  }
0x53: {  	_ =	shalt  }
0x54: {  	_ =	shalt  }
0x55: {  	_ =	shalt  }
0x56: {  	_ =	shalt  }
0x57: {  	_ =	shalt  }
0x58: {  	_ =	shalt  }
0x59: {  	_ =	shalt  }
0x5a: {  	_ =	shalt  }
0x5b: {  	_ =	shalt  }
0x5c: {  	_ =	shalt  }
0x5d: {  	_ =	shalt  }
0x5e: {  	_ =	shalt  }
0x5f: {  	_ =	shalt  }
0x60: {  	_ =	shalt  }
0x61: {  	_ =	shalt  }
0x62: {  	_ =	shalt  }
0x63: {  	_ =	shalt  }
0x64: {  	_ =	shalt  }
0x65: {  	_ =	shalt  }
0x66: {  	_ =	shalt  }
0x67: {  	_ =	shalt  }
0x68: {  	_ =	shalt  }
0x69: {  	_ =	shalt  }
0x6a: {  	_ =	shalt  }
0x6b: {  	_ =	shalt  }
0x6c: {  	_ =	shalt  }
0x6d: {  	_ =	shalt  }
0x6e: {  	_ =	shalt  }
0x6f: {  	_ =	shalt  }
0x70: {  	_ =	shalt  }
0x71: {  	_ =	shalt  }
0x72: {  	_ =	shalt  }
0x73: {  	_ =	shalt  }
0x74: {  	_ =	shalt  }
0x75: {  	_ =	shalt  }
0x76: {  	_ =	shalt  }
0x77: {  	_ =	shalt  }
0x78: {  	_ =	shalt  }
0x79: {  	_ =	shalt  }
0x7a: {  	_ =	shalt  }
0x7b: {  	_ =	shalt  }
0x7c: {  	_ =	shalt  }
0x7d: {  	_ =	shalt  }
0x7e: {  	_ =	shalt  }
0x7f: {  	_ =	shalt  }
0x80: {  	_ =	shalt  }
0x81: {  	_ =	shalt  }
0x82: {  	_ =	shalt  }
0x83: {  	_ =	shalt  }
0x84: {  	_ =	shalt  }
0x85: {  	_ =	shalt  }
0x86: {  	_ =	shalt  }
0x87: {  	_ =	shalt  }
.Lfunc_end0:
.L_simem_size_0:
called_computation_lowered:
.L_overlay_start_0:
0x88: {  	s2 =	sld [smem:$0x3FD9]  }
0x89: {  	s3 =	sld [smem:$0x3FFE];
	_ =	sdelay $0x1  }
0x8a: {  	s1 =	srdreg.scid  }
0x8b: {  	s0 =	sand.u32 $0x1, s1  }
0x8c: {  	s17 =	sshll.u32 s0, $0xA;
	s2 =	sadd.s32 s3, s2  }
0x8d: {  	s2 =	sadd.s32 s2, s17  }
0x8e: {  	[smem:$0x3FB7] =	sst s2  }
0x8f: {  	_ = 	snop  }
0x90: {  	s2 =	sld [smem:$0x3FD0];
	(tm) =	ssettm $0x1  }
0x91: {  	s18 =	sld [smem:$0x3FFB];
	_ =	sdelay $0x3  }
0x92: {  	_ =	strace s18  }
0x93: {  	s3 =	sld [smem:$0x3FFC];
	_ =	sdelay $0x3  }
0x94: {  	_ =	strace s3  }
0x95: {  	s3 =	sld [smem:$0x3FFD];
	_ =	sdelay $0x3  }
0x96: {  	_ =	strace s3  }
0x97: {  	_ =	strace $0x8FFFFFFF  }
0x98: {  	s19 =	sld [smem:$0x3FDB];
	_ =	sdelay $0x1  }
0x99: {  	s4 =	simm.s32 $_scs_section_size  }
0x9a: {  	s5 =	simm.s32 $_size__tile_overlayer_lowered;
	s6 =	simm.s32 $_tile_overlayer_lowered  }
0x9b: {  	s22 =	simm.s32 $0x1BFF;
	s21 =	sshll.u32 s6, $0x1;
	s3 =	sadd.s32 s4, s19  }
0x9c: {  	s7 =	simm.s32 $0x0;
	s20 =	sshll.u32 s5, $0x1;
	s5 =	sadd.s32 s21, s3  }
0x9d: {  	[timem:s7], [sflag:s22] =	dma.local [hbm:s5], s20  }
0x9e: {  	_ =	swait.ge [sflag:s22], s20  }
0x9f: {  	s4 =	ssub.s32 $0x0, s20;
	[sflag:s22] =	ssyncset.done $0x0  }
0xa0: {  	[sflag:s22] =	ssyncadd.s32 s4;
	_ =	sdelay $0x1  }
0xa1: {  	s23 =	simm.s32 $0x1B8B  }
0xa2: {  	_ =	swait.ge [sflag:s23], $0x1  }
0xa3: {  	[sflag:s23] =	ssyncset.done $0x0  }
0xa4: {  	s25 =	simm.s32 $0x1B8E;
	s24 =	sld [smem:$0x3FFE];
	[sflag:s23] =	ssyncadd.s32 $0xFFFFFFFF  }
0xa5: {  	s26 =	simm.s32 $execute0_lowered;
	[smem:$0x3FD2] =	sst s25  }
0xa6: {  	s5 =	sshll.u32 s26, $0x1;
	_ =	strace $0x80000046;
	[dreg:$0x1] =	wrdreg $0xFFFFFFFF  }
0xa7: {  	s28 =	simm.s32 $_size_execute0_lowered;
	s3 =	sadd.s32 s3, s5;
	[dreg:$0x0] =	wrdreg $0x0  }
0xa8: {  	s5 =	sshll.u32 s28, $0x1;
	[dreg:$0x2] =	wrdreg s3  }
0xa9: {  	[dreg:$0x3] =	wrdreg s5  }
0xaa: {  	[dreg:$0x4] =	wrdreg $0xC0  }
0xab: {  	_ =	task [dreg:s7], $0x5FFFF  }
0xac: {  	[dreg:$0x1] =	wrdreg $0xFFFFFFFF  }
0xad: {  	[dreg:$0x0] =	wrdreg $0x60  }
0xae: {  	[dreg:$0x2] =	wrdreg s2  }
0xaf: {  	[dreg:$0x3] =	wrdreg s24  }
0xb0: {  	[dreg:$0x4] =	wrdreg $0xF0800  }
0xb1: {  	[dreg:$0x5] =	wrdreg $0x190800  }
0xb2: {  	[dreg:$0x6] =	wrdreg $0x9  }
0xb3: {  	_ =	task.clear_ibuf [dreg:s7], $0x7FFFF;
	_ =	strace $0x90000046  }
0xb4: {  	s29 =	simm.s32 $0x9;
	_ =	strace $0x80000048  }
0xb5: {  	_ =	swait.ge [sflag:s29], $0x1  }
0xb6: {  	[sflag:s29] =	ssyncadd.s32 $0xFFFFFFFF  }
0xb7: {  	_ =	strace $0x90000048  }
0xb8: {  	_ =	sfence  }
0xb9: {  	s30 =	sld [smem:$0x0];
	_ =	sdelay $0x2  }
0xba: {  	s31 =	sshll.u32 s1, $0xD;
	s1 =	sshrl.u32 s1, $0x2  }
0xbb: {  	s3 =	sand.u32 $0x4000, s31;
	s1 =	sadd.s32 s1, s30  }
0xbc: {  	s0 =	sor.u32 s3, s0;
	s1 =	sshll.u32 s1, $0x11  }
0xbd: {  	s0 =	sor.u32 s1, s0  }
0xbe: {  	s0 =	sadd.s32 $0x8F2B, s0  }
0xbf: {  	[sflag:s0] =	ssyncadd.remote.s32 $0x1  }
0xc0: {  	_ =	sfence.sel $0xFFFF  }
0xc1: {  	[dreg:$0x0] =	wrdreg $0xFFFFFFFF;
	(pc) =	sbr.abs _section_cstart, $3  }
0xc2: {  	[dreg:$0x1] =	wrdreg $0xFFFFFFFF  }
0xc3: {  	_ =	task.clear_ibuf [dreg:s7], $0x2FFFF;
	_ =	strace $0x9FFFFFFF  }
0xc4: {  	(tm) =	ssettm $0x7FFFFFFF  }
0xc5: {  	_ =	shalt  }
tec
execute0_lowered:
.L_overlay_start_1:
0x0: {  	(tag) =	ssettag $0x1  }
0x1: {  	s1 =	rddreg [dreg:$0x0]  }
0x2: {  	s6 =	rddreg [dreg:$0x1]  }
0x3: {  	s2 =	rddreg [dreg:$0x2]  }
0x4: {  	s3 =	rddreg [dreg:$0x3]  }
0x5: {  	s4 =	srdreg.scid;
	s5 =	simm.s32 $0x0;
	s19 =	simm.s32 $0x2800  }
0x6: {  	s20 =	simm.s32 $0x7800;
	s23 =	simm.s32 $0x50;
	s22 =	sand.u32 $0x1, s4  }
0x7: {  	s24 =	simm.s32 $0xC800;
	s4 =	stileid.u32;
	s7 =	smul.u32 $0xA0000, s22  }
0x8: {  	s25 =	simm.s32 $0x2;
	s26 =	simm.s32 $0x0;
	s8 =	smul.u32 $0xA000, s4  }
0x9: {  	[smem:$0x7FF] =	sst s5;
	s9 =	sadd.s32 $0xEA00, s6;
	s10 =	smul.u32 $0x5000, s4  }
0xa: {  	s11 =	sadd.s32 $0x4A00, s6;
	_ =	strace $0x80000047;
	s12 =	smul.u32 $0x28000, s4  }
0xb: {  	s28 =	ssub.s32 $0x2, s22;
	s17 =	smul.u32 $0x1388, s22;
	s21 =	sor.u32 s4, s22  }
0xc: {  	p1 =	sne.s32 s22, $0x0;
	s22 =	simm.s32 $0x1;
	s29 =	sshrl.u32 s28, $0x1  }
0xd: {  	p0 =	sne.s32 s21, $0x0;
	s21 =	simm.s32 $0xA000;
	s7 =	sadd.s32 s8, s7  }
0xe: {  	s16 =	ssub.s32 s28, s29;
	s30 =	sshrl.u32 s10, $0x3;
	s31 =	sshrl.u32 s12, $0x2  }
0xf: {  	s18 =	sadd.s32 $0x1388, s17;
	v0 =	vmov s17;
	s17 =	simm.s32 $0x3;
	s7 =	sshrl.u32 s7, $0x3  }
.Ltmp0:
0x10: {  	s13 =	sadd.s32 $0x500, s30;
	s8 =	sadd.s32 s11, s30;
	(pc) =	sbr.rel .LBB2_1-.Ltmp0, $4  }
0x11: {  	s10 =	sadd.s32 s31, s2;
	s16 =	smax.u32 s16, $0x1;
	v1 =	vmov s18;
	s18 =	simm.s32 $0x5000  }
0x12: {  	v2 =	vimm.f32 $0.0e+00;
	v3 =	vimm.f32 $1.000000000e+00;
	v4 =	vlaneseq.u32;
	s15 =	sadd.s32 s7, s6;
	s6 =	sadd.s32 $0x18A00, s6;
	s7 =	sadd.s32 s9, s30  }
0x13: {  	v10 =	vimm.s32 $0x0;
	v5 =	vor.u32 $0x10, v4;
	v6 =	vor.u32 $0x20, v4;
	s9 =	sadd.s32 s9, s13;
	s11 =	sadd.s32 s11, s13;
	s12 =	sadd.s32 $0x2800, s10  }
0x14: {  	v7 =	vor.u32 $0x30, v4;
	v8 =	vor.u32 $0x40, v4;
	v9 =	vor.u32 $0x13C0, v4;
	s13 =	sadd.s32 $0x5000, s10;
	s14 =	sadd.s32 $0x7800, s10;
	s15 =	sadd.s32 $0x19000, s15  }
.LBB2_11:
0x15: {  	s30 =	simm.s32 $0x5050  }
.LBB2_15:
0x16: {  	s0 =	sadd.s32 $0xFFFFFFB0, s29;
	[sflag:s17] =	ssyncadd.s32 @p2 $0xFFFFD800  }
0x17: {  	[tilespmem:s21], [sflag:$0x1] =	stream.indirect.gather [hbm4b:s1+s23], $0x80, s0, s23, $0xb8;
	[tilespmem:$0x19300] =	vst v63  }
0x18: {  	_ = 	snop  }
0x19: {  	[tilespmem:s24], [sflag:$0x2] =	stream.indirect.gather [hbm4b:s1+s23], $0x80, s29, s23, $0xb8;
	[tilespmem:$0x19300] =	vst v63  }
0x1a: {  	s0 =	sadd.s32 @p2 $0xA0, s30;
	_ =	swait.ge [sflag:s22], $0x2800  }
0x1b: {  	s28 =	smov.u32 @p2 s0;
	[sflag:s22] =	ssyncset.done $0x0  }
0x1c: {  	s0 =	sadd.s32 $0xFFFFFFB0, s28;
	[sflag:s22] =	ssyncadd.s32 $0xFFFFD800  }
0x1d: {  	[spmem:s2] =	stream.indirect.scatter.add.f32 [tilespmem:s21], [sflag:$0x3], $0x80, s0, s23, $0xb8;
	[tilespmem:$0x19300] =	vst v63  }
0x1e: {  	_ =	swait.ge [sflag:s17], $0x2800  }
0x1f: {  	[sflag:s17] =	ssyncset.done $0x0  }
0x20: {  	[sflag:s17] =	ssyncadd.s32 $0xFFFFD800  }
0x21: {  	_ =	swait.ge [sflag:s25], $0x2800  }
0x22: {  	[sflag:s25] =	ssyncset.done $0x0  }
0x23: {  	[sflag:s25] =	ssyncadd.s32 $0xFFFFD800  }
0x24: {  	[spmem:s2] =	stream.indirect.scatter.add.f32 [tilespmem:s24], [sflag:$0x3], $0x80, s28, s23, $0xb8;
	[tilespmem:$0x19300] =	vst v63  }
0x25: {  	_ =	swait.ge [sflag:s17], $0x2800  }
0x26: {  	[sflag:s17] =	ssyncset.done $0x0  }
0x27: {  	[sflag:s17] =	ssyncadd.s32 $0xFFFFD800  }
.LBB2_16:
0x28: {  	s0 =	sshll.u32 s4, $0x6  }
0x29: {  	[bflag:$0x0] =	sbarrier.arrive $0xFFFF;
	s28 =	sshrl.u32 s10, $0x3;
	s0 =	sor.u32 $0x1C03, s0  }
0x2a: {  	[hbm:s15], [sflag:s0] =	dma.local [spmem:s28], $0x1400  }
0x2b: {  	_ =	swait.ge [sflag:s17], $0x1400  }
0x2c: {  	s26 =	sadd.s32 $0x1, s26;
	[sflag:s17] =	ssyncset.done $0x0  }
0x2d: {  	p2 =	sne.s32 s26, s16;
	s28 =	sshrl.u32 @!p0 s3, $0x3;
	[sflag:s17] =	ssyncadd.s32 $0xFFFFEC00  }
0x2e: {  	[hbm:s6], [sflag:s0] =	dma.local @!p0 [spmem:s28], $0x500  }
.Ltmp1:
0x2f: {  	_ = 	snop;
	(pc) =	sbr.rel @!p2 .LBB2_17-.Ltmp1, $4  }
0x30: {  	s0 =	simm.s32 @!p0 $0x3  }
0x31: {  	_ =	swait.ge @!p0 [sflag:s0], $0x500  }
0x32: {  	[sflag:s0] =	ssyncset.done @!p0 $0x0  }
0x33: {  	[sflag:s0] =	ssyncadd.s32 @!p0 $0xFFFFFB00  }
.LBB2_1:
0x34: {  	[tilespmem:s5], [sflag:$0x3] =	stream.linear.gather [hbm4b:s7+s5], $0x2800, $0x38;
	[tilespmem:$0x19300] =	vst v63  }
0x35: {  	_ =	swait.ge [sflag:s17], $0x2800  }
0x36: {  	[sflag:s17] =	ssyncset.done $0x0  }
0x37: {  	[sflag:s17] =	ssyncadd.s32 $0xFFFFD800  }
0x38: {  	[tilespmem:s18], [sflag:$0x3] =	stream.linear.gather [hbm4b:s8+s5], $0x2800, $0x38;
	[tilespmem:$0x19300] =	vst v63  }
0x39: {  	_ =	swait.ge [sflag:s17], $0x2800  }
0x3a: {  	[sflag:s17] =	ssyncset.done $0x0  }
0x3b: {  	[sflag:s17] =	ssyncadd.s32 $0xFFFFD800  }
0x3c: {  	[tilespmem:s19], [sflag:$0x3] =	stream.linear.gather [hbm4b:s9+s5], $0x2800, $0x38;
	[tilespmem:$0x19300] =	vst v63  }
0x3d: {  	_ =	swait.ge [sflag:s17], $0x2800  }
0x3e: {  	[sflag:s17] =	ssyncset.done $0x0  }
0x3f: {  	[sflag:s17] =	ssyncadd.s32 $0xFFFFD800  }
0x40: {  	[tilespmem:s20], [sflag:$0x3] =	stream.linear.gather [hbm4b:s11+s5], $0x2800, $0x38;
	[tilespmem:$0x19300] =	vst v63  }
0x41: {  	_ =	swait.ge [sflag:s17], $0x2800  }
0x42: {  	[sflag:s17] =	ssyncset.done $0x0  }
0x43: {  	s28 =	simm.s32 $0x0;
	s29 =	simm.s32 $0x200;
	[sflag:s17] =	ssyncadd.s32 $0xFFFFD800  }
.LBB2_2:
0x44: {  	p2 =	sne.s32 s29, $0x9E00;
	[tilespmem:s28+$0xA070] =	vst v2  }
0x45: {  	[tilespmem:s28+$0xA000] =	vst v2  }
0x46: {  	[tilespmem:s28+$0xA010] =	vst v2  }
.Ltmp2:
0x47: {  	[tilespmem:s28+$0xA020] =	vst v2;
	(pc) =	sbr.rel @p2 .LBB2_2-.Ltmp2, $4  }
0x48: {  	[tilespmem:s28+$0xA030] =	vst v2  }
0x49: {  	[tilespmem:s28+$0xA040] =	vst v2  }
0x4a: {  	[tilespmem:s28+$0xA050] =	vst v2  }
0x4b: {  	[tilespmem:s28+$0xA060] =	vst v2;
	s28 =	sshra.s32 s29, $0x2;
	s29 =	sadd.s32 $0x200, s29  }
0x4c: {  	[tilespmem:s28+$0xA070] =	vst v2  }
0x4d: {  	[tilespmem:s28+$0xA000] =	vst v2  }
0x4e: {  	[tilespmem:s28+$0xA010] =	vst v2  }
0x4f: {  	[tilespmem:s28+$0xA020] =	vst v2  }
0x50: {  	[tilespmem:s28+$0xA030] =	vst v2  }
0x51: {  	[tilespmem:s28+$0xA040] =	vst v2  }
0x52: {  	[tilespmem:s28+$0xA050] =	vst v2  }
0x53: {  	[tilespmem:s28+$0xA060] =	vst v2  }
0x54: {  	[spmem:s10] =	stream.linear.scatter [tilespmem:s21], [sflag:$0x3], $0x2800, $0x38;
	[tilespmem:$0x19300] =	vst v63  }
0x55: {  	_ =	swait.ge [sflag:s17], $0x2800  }
0x56: {  	[sflag:s17] =	ssyncset.done $0x0  }
0x57: {  	[sflag:s17] =	ssyncadd.s32 $0xFFFFD800  }
0x58: {  	[spmem:s12] =	stream.linear.scatter [tilespmem:s21], [sflag:$0x3], $0x2800, $0x38;
	[tilespmem:$0x19300] =	vst v63  }
0x59: {  	_ =	swait.ge [sflag:s17], $0x2800  }
0x5a: {  	[sflag:s17] =	ssyncset.done $0x0  }
0x5b: {  	[sflag:s17] =	ssyncadd.s32 $0xFFFFD800  }
0x5c: {  	[spmem:s13] =	stream.linear.scatter [tilespmem:s21], [sflag:$0x3], $0x2800, $0x38;
	[tilespmem:$0x19300] =	vst v63  }
0x5d: {  	_ =	swait.ge [sflag:s17], $0x2800  }
0x5e: {  	[sflag:s17] =	ssyncset.done $0x0  }
0x5f: {  	[sflag:s17] =	ssyncadd.s32 $0xFFFFD800  }
0x60: {  	[spmem:s14] =	stream.linear.scatter [tilespmem:s21], [sflag:$0x3], $0x2800, $0x38;
	[tilespmem:$0x19300] =	vst v63  }
0x61: {  	_ =	swait.ge [sflag:s17], $0x2800  }
0x62: {  	[sflag:s17] =	ssyncset.done $0x0  }
0x63: {  	s28 =	simm.s32 @!p0 $0xA000;
	[sflag:s17] =	ssyncadd.s32 $0xFFFFD800  }
0x64: {  	[spmem:s3] =	stream.linear.scatter @!p0 [tilespmem:s28], [sflag:$0x3], $0x2800, $0x38;
	[tilespmem:$0x19300] =	vst v63  }
.Ltmp3:
0x65: {  	_ = 	snop;
	(pc) =	sbr.rel @p1 .LBB2_7-.Ltmp3, $4  }
0x66: {  	s28 =	simm.s32 @!p0 $0x3  }
0x67: {  	_ =	swait.ge @!p0 [sflag:s28], $0x2800  }
0x68: {  	[sflag:s28] =	ssyncset.done @!p0 $0x0  }
0x69: {  	[sflag:s28] =	ssyncadd.s32 @!p0 $0xFFFFD800;
	s28 =	simm.s32 $0x0  }
0x6a: {  	s29 =	sshra.s32 s28, $0x2;
	s28 =	sadd.s32 $0x40, s28  }
.LBB2_5:
0x6b: {  	p2 =	sne.s32 s28, $0x13840;
	v11 =	vld [tilespmem:s29+$0x5000];
	_ =	sdelay $0x3  }
.Ltmp4:
0x6c: {  	(pc) =	sbr.rel @p2 .LBB2_5-.Ltmp4, $2  }
0x6d: {  	_ =	sdelay $0x2  }
0x6e: {  	s29 =	sshra.s32 s28, $0x2;
	s28 =	sadd.s32 $0x40, s28;
	[tilespmem:v11+s21+$0x0] =	vst.idx.add.f32.msk $0xffff, v3  }
0x6f: {  	v11 =	vld [tilespmem:s29+$0x5000];
	_ =	sdelay $0x7  }
0x70: {  	[tilespmem:v11+s21+$0x0] =	vst.idx.add.f32.msk $0xffff, v3  }
0x71: {  	[tilespmem:$0xF000] =	vst v4  }
0x72: {  	[tilespmem:$0xF010] =	vst v5  }
0x73: {  	[tilespmem:$0xF020] =	vst v6  }
0x74: {  	[tilespmem:$0xF030] =	vst v7  }
0x75: {  	[tilespmem:$0xF040] =	vst v8  }
.LBB2_7:
0x76: {  	s28 =	simm.s32 $0x0  }
0x77: {  	v11 =	vld [tilespmem:s28+$0x5000];
	_ =	sdelay $0x4  }
0x78: {  	vm0 =	vge.s32 v11, v0;
	vm1 =	vlt.s32 v11, v1  }
0x79: {  	vm0 =	vmand vm0, vm1  }
0x7a: {  	v13 =	vmpcnt.ones.xlane vm0;
	_ =	sdelay $0x1  }
0x7b: {  	(v2sf) =	vpush v13, $0x0  }
0x7c: {  	v12 =	vld [tilespmem:s28+$0x0];
	_ =	sdelay $0x2  }
0x7d: {  	s28 =	simm.s32 $0x0;
	v11 =	vsub.s32 v11, v0  }
0x7e: {  	[tilespmem:s28+$0x5000] =	vst.msk vm0, v11  }
0x7f: {  	s30 =	simm.s32 $0x10;
	s29 =	simm.s32 $0x80;
	[tilespmem:s28+$0x0] =	vst.msk vm0, v12  }
.LBB2_8:
0x80: {  	p2 =	sne.s32 s29, $0x13840;
	v11 =	vld [tilespmem:s30+$0x5000];
	_ =	sdelay $0x4  }
0x81: {  	vm0 =	vge.s32 v11, v0;
	vm1 =	vlt.s32 v11, v1;
	v11 =	vsub.s32 v11, v0  }
0x82: {  	v12 =	vld [tilespmem:s30+$0x0];
	vm0 =	vmand vm0, vm1  }
0x83: {  	v13 =	vmpcnt.ones.xlane vm0  }
0x84: {  	s30 =	spop (v2sf)  }
0x85: {  	(v2sf) =	vpush v13, $0x0;
	s28 =	sadd.s32 s28, s30  }
0x86: {  	[tilespmem:s28+$0x5000] =	vst.msk vm0, v11  }
.Ltmp5:
0x87: {  	[tilespmem:s28+$0x0] =	vst.msk vm0, v12;
	(pc) =	sbr.rel @p2 .LBB2_8-.Ltmp5, $2  }
0x88: {  	_ =	sdelay $0x2  }
0x89: {  	s30 =	sshra.s32 s29, $0x2;
	s29 =	sadd.s32 $0x40, s29  }
0x8a: {  	v11 =	vld [tilespmem:s30+$0x5000];
	_ =	sdelay $0x4  }
0x8b: {  	vm0 =	vge.s32 v11, v0;
	vm1 =	vlt.s32 v11, v1  }
0x8c: {  	vm0 =	vmand vm0, vm1  }
0x8d: {  	v12 =	vmpcnt.ones.xlane vm0;
	_ =	sdelay $0x1  }
0x8e: {  	(v2sf) =	vpush v12, $0x0;
	_ =	sdelay $0xa  }
0x8f: {  	v63 =	vld [tilespmem:s30+$0x0];
	_ =	sdelay $0x1  }
0x90: {  	s29 =	spop (v2sf)  }
0x91: {  	v11 =	vsub.s32 v11, v0;
	s28 =	sadd.s32 s28, s29  }
0x92: {  	[tilespmem:s28+$0x5000] =	vst.msk vm0, v11;
	s31 =	spop (v2sf)  }
0x93: {  	[tilespmem:s28+$0x0] =	vst.msk vm0, v63;
	s28 =	sadd.s32 s28, s31  }
0x94: {  	[tilespmem:s28+$0x5000] =	vst v9  }
0x95: {  	[tilespmem:s28+$0x0] =	vst v10  }
0x96: {  	[tilespmem:s28+$0x5010] =	vst v9  }
0x97: {  	[tilespmem:s28+$0x10] =	vst v10  }
0x98: {  	[tilespmem:s28+$0x5020] =	vst v9  }
0x99: {  	[tilespmem:s28+$0x20] =	vst v10  }
0x9a: {  	[tilespmem:s28+$0x5030] =	vst v9  }
0x9b: {  	[tilespmem:s28+$0x30] =	vst v10  }
0x9c: {  	[tilespmem:s28+$0x5040] =	vst v9  }
0x9d: {  	[tilespmem:s28+$0x40] =	vst v10  }
0x9e: {  	[tilespmem:s28+$0x5050] =	vst v9  }
0x9f: {  	s29 =	sadd.s32 $0x9F, s28;
	[tilespmem:s28+$0x50] =	vst v10  }
0xa0: {  	[tilespmem:s28+$0x5060] =	vst v9;
	s30 =	smulhi.u32 $0x66666667, s29;
	s31 =	sshra.s32 s29, $0x1F  }
0xa1: {  	[tilespmem:s28+$0x60] =	vst v10;
	s31 =	smul.u32 $0x66666667, s31  }
0xa2: {  	[tilespmem:s28+$0x5070] =	vst v9  }
0xa3: {  	[tilespmem:s28+$0x70] =	vst v10;
	s30 =	sadd.s32 s31, s30  }
0xa4: {  	[tilespmem:s28+$0x5080] =	vst v9;
	s31 =	sshrl.u32 s30, $0x1F;
	s30 =	sshra.s32 s30, $0x6  }
0xa5: {  	[tilespmem:s28+$0x80] =	vst v10;
	s30 =	sadd.s32 s31, s30  }
0xa6: {  	[tilespmem:s28+$0x5090] =	vst v9;
	s31 =	smul.u32 $0xFFFFFF60, s30  }
0xa7: {  	s0 =	ssub.s32 $0xFFFFFF61, s28;
	[tilespmem:s28+$0x90] =	vst v10;
	s28 =	simm.s32 @!p1 $0xF000  }
0xa8: {  	p2 =	slt.s32 s29, $0x1;
	[bflag:$0x0] =	sbarrier.arrive $0xFFFF;
	p3 =	sne.s32 s31, s0  }
0xa9: {  	s29 =	simm.s32 @!p1 $0xA000;
	s0 =	simm.s32 @!p1 $0x50;
	p2 =	por !p2, !p3  }
0xaa: {  	[spmem:s3] =	stream.indirect.scatter.add.f32 @!p1 [tilespmem:s29], [sflag:$0x3], $0x80, s28, s0, $0xb8;
	[tilespmem:$0x19300] =	vst v63  }
0xab: {  	s0 =	simm.s32 $0x1;
	p2 =	por !p2, !p2  }
0xac: {  	s0 =	simm.s32 @!p2 $0x0  }
0xad: {  	s30 =	ssub.s32 s30, s0  }
0xae: {  	p2 =	slt.s32 s30, $0x1  }
.Ltmp6:
0xaf: {  	_ = 	snop;
	(pc) =	sbr.rel @p2 .LBB2_16-.Ltmp6, $4  }
0xb0: {  	s28 =	simm.s32 @!p1 $0x3  }
0xb1: {  	_ =	swait.ge @!p1 [sflag:s28], $0x2800  }
0xb2: {  	[sflag:s28] =	ssyncset.done @!p1 $0x0  }
0xb3: {  	[sflag:s28] =	ssyncadd.s32 @!p1 $0xFFFFD800  }
0xb4: {  	p3 =	sne.s32 s30, $0x1  }
.Ltmp7:
0xb5: {  	_ = 	snop;
	(pc) =	sbr.rel @!p3 .LBB2_11-.Ltmp7, $3  }
0xb6: {  	_ =	sdelay $0x1  }
0xb7: {  	s29 =	simm.s32 $0x50  }
0xb8: {  	s28 =	simm.s32 $0x5050;
	s30 =	sadd.s32 $0xFFFFFFFF, s30;
	p2 =	por $0x0, $0x0  }
0xb9: {  	s0 =	simm.s32 $0x0  }
0xba: {  	[tilespmem:s21], [sflag:$0x1] =	stream.indirect.gather [hbm4b:s1+s23], $0x80, s0, s23, $0xb8;
	[tilespmem:$0x19300] =	vst v63  }
0xbb: {  	_ = 	snop  }
0xbc: {  	[tilespmem:s24], [sflag:$0x2] =	stream.indirect.gather [hbm4b:s1+s23], $0x80, s29, s23, $0xb8;
	[tilespmem:$0x19300] =	vst v63  }
0xbd: {  	_ =	swait.ge [sflag:s22], $0x2800  }
0xbe: {  	[sflag:s22] =	ssyncset.done $0x0  }
0xbf: {  	s0 =	simm.s32 $0x5000;
	[sflag:s22] =	ssyncadd.s32 $0xFFFFD800  }
0xc0: {  	[spmem:s2] =	stream.indirect.scatter.add.f32 [tilespmem:s21], [sflag:$0x3], $0x80, s0, s23, $0xb8;
	[tilespmem:$0x19300] =	vst v63  }
0xc1: {  	_ =	swait.ge [sflag:s17], $0x2800  }
0xc2: {  	[sflag:s17] =	ssyncset.done $0x0  }
0xc3: {  	[sflag:s17] =	ssyncadd.s32 $0xFFFFD800  }
0xc4: {  	p3 =	sne.s32 s30, $0x1;
	_ =	swait.ge [sflag:s25], $0x2800  }
.Ltmp8:
0xc5: {  	[sflag:s25] =	ssyncset.done $0x0;
	(pc) =	sbr.rel @!p3 .LBB2_13-.Ltmp8, $4  }
0xc6: {  	[sflag:s25] =	ssyncadd.s32 $0xFFFFD800  }
0xc7: {  	[spmem:s2] =	stream.indirect.scatter.add.f32 [tilespmem:s24], [sflag:$0x3], $0x80, s28, s23, $0xb8;
	[tilespmem:$0x19300] =	vst v63  }
0xc8: {  	s31 =	sadd.s32 $0xFFFFFFFF, s30;
	p2 =	por $0x1, $0x1;
	_ =	swait.ge [sflag:s17], $0x2800  }
0xc9: {  	s30 =	simm.s32 $0x5050;
	s29 =	simm.s32 $0xF0;
	[sflag:s17] =	ssyncset.done $0x0  }
.LBB2_14:
0xca: {  	s0 =	sadd.s32 $0xFFFFFFB0, s29;
	[sflag:s17] =	ssyncadd.s32 $0xFFFFD800;
	s30 =	sadd.s32 $0xA0, s30  }
0xcb: {  	[tilespmem:s21], [sflag:$0x1] =	stream.indirect.gather [hbm4b:s1+s23], $0x80, s0, s23, $0xb8;
	[tilespmem:$0x19300] =	vst v63  }
0xcc: {  	p3 =	sne.s32 s31, $0x1;
	s31 =	sadd.s32 $0xFFFFFFFF, s31  }
0xcd: {  	[tilespmem:s24], [sflag:$0x2] =	stream.indirect.gather [hbm4b:s1+s23], $0x80, s29, s23, $0xb8;
	[tilespmem:$0x19300] =	vst v63  }
0xce: {  	_ =	swait.ge [sflag:s22], $0x2800  }
0xcf: {  	[sflag:s22] =	ssyncset.done $0x0  }
0xd0: {  	s0 =	sadd.s32 $0xFFFFFFB0, s30;
	[sflag:s22] =	ssyncadd.s32 $0xFFFFD800  }
0xd1: {  	[spmem:s2] =	stream.indirect.scatter.add.f32 [tilespmem:s21], [sflag:$0x3], $0x80, s0, s23, $0xb8;
	[tilespmem:$0x19300] =	vst v63  }
0xd2: {  	_ =	swait.ge [sflag:s17], $0x2800  }
0xd3: {  	[sflag:s17] =	ssyncset.done $0x0  }
0xd4: {  	[sflag:s17] =	ssyncadd.s32 $0xFFFFD800  }
0xd5: {  	_ =	swait.ge [sflag:s25], $0x2800  }
.Ltmp9:
0xd6: {  	[sflag:s25] =	ssyncset.done $0x0;
	(pc) =	sbr.rel @p3 .LBB2_14-.Ltmp9, $4  }
0xd7: {  	[sflag:s25] =	ssyncadd.s32 $0xFFFFD800  }
0xd8: {  	[spmem:s2] =	stream.indirect.scatter.add.f32 [tilespmem:s24], [sflag:$0x3], $0x80, s30, s23, $0xb8;
	[tilespmem:$0x19300] =	vst v63  }
0xd9: {  	_ =	swait.ge [sflag:s17], $0x2800  }
0xda: {  	s29 =	sadd.s32 $0xA0, s29;
	[sflag:s17] =	ssyncset.done $0x0  }
.Ltmp10:
0xdb: {  	_ = 	snop;
	(pc) =	sbr.rel .LBB2_15-.Ltmp10, $1  }
0xdc: {  	_ =	sdelay $0x3  }
.LBB2_13:
.Ltmp11:
0xdd: {  	(pc) =	sbr.rel .LBB2_15-.Ltmp11, $2  }
0xde: {  	_ =	sdelay $0x2  }
0xdf: {  	s30 =	simm.s32 $0x5050  }
.LBB2_17:
0xe0: {  	_ =	sfence.sel $0x180000  }
0xe1: {  	[bflag:$0x0] =	sbarrier.arrive $0xFFFF  }
0xe2: {  	_ =	strace $0x90000047  }
0xe3: {  	[bflag:$0x2] =	sbarrier.arrive $0xFFFF  }
0xe4: {  	p0 =	sne.s32 s4, $0x0;
	s0 =	rddreg [dreg:$0x4]  }
0xe5: {  	s0 =	sadd.s32 @!p0 $0x100000, s0  }
0xe6: {  	[sflag:s0] =	ssyncadd.tile.s32 @!p0 $0x1;
	_ =	shalt  }
.Lfunc_end2:
_tile_overlayer_lowered:
.L_overlay_start_2:
0xe7: {  	(tag) =	ssettag $0x2  }
0xe8: {  	s0 =	rddreg [dreg:$0x0];
	s2 =	stileid.u32  }
0xe9: {  	s1 =	rddreg [dreg:$0x1];
	p0 =	sne.s32 s2, $0x0  }
0xea: {  	s3 =	rddreg [dreg:$0x2];
	[bflag:$0x3] =	sbarrier.arrive $0xFFFF;
	s2 =	simm.s32 @!p0 $0x1C03  }
0xeb: {  	[timem:s3], [sflag:s2] =	dma.local @!p0 [hbm:s0], s1  }
0xec: {  	s0 =	simm.s32 @!p0 $0x3  }
0xed: {  	_ =	swait.ge @!p0 [sflag:s0], s1  }
0xee: {  	s1 =	ssub.s32 @!p0 $0x0, s1;
	[sflag:s0] =	ssyncset.done @!p0 $0x0  }
0xef: {  	[sflag:s0] =	ssyncadd.s32 @!p0 s1  }
0xf0: {  	[bflag:$0x3] =	sbarrier.arrive $0xFFFF  }
0xf1: {  	_ =	shalt  }

</sc_bundles>
